<compile_context>
chip_gen: v7x
topology: tpu7x:2x2x1
jax: 0.10.2.dev20260603
libtpu: 0.0.44.dev20260713+nightly
codegen_flags: <defaults>
</compile_context>

<pallas_src>
import jax
import jax.numpy as jnp
import numpy as np
from jax import lax
from jax.experimental import pallas as pl
from jax.experimental.pallas import tpu as pltpu
from jax.experimental.pallas import tpu_sc as plsc

_BS = 16
_NM = 200
_NMP = 208
_AM = 8192
_KEY_MUL = 16384
_NW = 32
_CPW = _AM * _BS // _NW
_T = 8192
_EMPTY = -1
_HASH_MUL = np.uint32(2654435761)
_HASH_SHIFT = np.uint32(32 - 13)


def _hash(key):
    ku = key.astype(jnp.uint32) * _HASH_MUL
    return (ku >> _HASH_SHIFT).astype(jnp.int32) & (_T - 1)


def _sc_match(g0_hbm, g1_hbm, gm_hbm, c0_hbm, c1_hbm, x_hbm, out_hbm,
              c0_v, c1_v, x_v, g0_v, g1_v, gm_v, tab_v, acc_v, sem):
    wid = lax.axis_index("s") * 2 + lax.axis_index("c")
    b = wid // 2

    gold_copies = [
        pltpu.async_copy(g0_hbm.at[pl.ds(b * _NMP, _NMP)], g0_v, sem),
        pltpu.async_copy(g1_hbm.at[pl.ds(b * _NMP, _NMP)], g1_v, sem),
        pltpu.async_copy(gm_hbm.at[pl.ds(b * _NMP, _NMP)], gm_v, sem),
    ]
    cand_copies = [
        pltpu.async_copy(c0_hbm.at[pl.ds(wid * _CPW, _CPW)], c0_v, sem),
        pltpu.async_copy(c1_hbm.at[pl.ds(wid * _CPW, _CPW)], c1_v, sem),
        pltpu.async_copy(x_hbm.at[pl.ds(wid * _CPW, _CPW)], x_v, sem),
    ]

    empty = jnp.full((16,), _EMPTY, jnp.int32)

    def init(i, carry):
        tab_v[pl.ds(i * 16, 16)] = empty
        return carry

    lax.fori_loop(0, _T // 16, init, 0, unroll=8)

    for c in gold_copies:
        c.wait()

    def insert(gv, dmax):
        off = gv * 16
        key = g0_v[pl.ds(off, 16)] * _KEY_MUL + g1_v[pl.ds(off, 16)] - 1
        pending = gm_v[pl.ds(off, 16)] != 0

        def wbody(st):
            pend, h, cnt = st
            occ = plsc.load_gather(tab_v, [h])
            take = pend & (occ == _EMPTY)
            plsc.store_scatter(tab_v, [h], key, mask=take)
            got = plsc.load_gather(tab_v, [h])
            pend2 = pend & (got != key)
            return pend2, (h + 1) & (_T - 1), cnt + 1

        _, _, rounds = lax.while_loop(lambda st: jnp.any(st[0]), wbody,
                                      (pending, _hash(key), jnp.int32(0)))
        return jnp.maximum(dmax, rounds)

    dmax = lax.fori_loop(0, _NMP // 16, insert, jnp.int32(0))

    for c in cand_copies:
        c.wait()

    def probe_static(i, acc):
        off = i * 16
        ck = c0_v[pl.ds(off, 16)] * _KEY_MUL + c1_v[pl.ds(off, 16)]
        h0 = _hash(ck)
        found = plsc.load_gather(tab_v, [h0]) == ck
        for d in range(1, 4):
            h = (h0 + d) & (_T - 1)
            found = found | (plsc.load_gather(tab_v, [h]) == ck)
        xv = x_v[pl.ds(off, 16)]
        return acc + jnp.where(found & (xv != -jnp.inf), xv, 0.0)

    def probe_dynamic(i, acc):
        off = i * 16
        ck = c0_v[pl.ds(off, 16)] * _KEY_MUL + c1_v[pl.ds(off, 16)]
        h0 = _hash(ck)
        hit = plsc.load_gather(tab_v, [h0]) == ck

        def pbody(_, st):
            h, found = st
            tv2 = plsc.load_gather(tab_v, [h])
            return (h + 1) & (_T - 1), found | (tv2 == ck)

        _, found = lax.fori_loop(0, dmax - 1, pbody,
                                 ((h0 + 1) & (_T - 1), hit))
        xv = x_v[pl.ds(off, 16)]
        return acc + jnp.where(found & (xv != -jnp.inf), xv, 0.0)

    @pl.when(dmax <= 4)
    def _():
        acc_v[...] = lax.fori_loop(0, _CPW // 16, probe_static,
                                   jnp.zeros((16,), jnp.float32), unroll=4)

    @pl.when(dmax > 4)
    def _():
        acc_v[...] = lax.fori_loop(0, _CPW // 16, probe_dynamic,
                                   jnp.zeros((16,), jnp.float32))
    pltpu.sync_copy(acc_v, out_hbm.at[pl.ds(wid * 16, 16)])


def _bce_kernel(x_ref, bp_ref, out_ref):
    x = x_ref[...]
    valid = x != -jnp.inf
    t = jnp.maximum(x, 0.0) + jnp.log1p(jnp.exp(-jnp.abs(x)))
    a = jnp.sum(jnp.where(valid, t, 0.0))
    c = jnp.sum(valid.astype(jnp.float32))
    out_ref[0, 0] = (a - jnp.sum(bp_ref[...])) / c


@jax.jit
def kernel(gold_mention_bounds, gold_mention_bounds_mask, mention_logits,
           mention_bounds):
    gmb = gold_mention_bounds.astype(jnp.int32)
    g0 = jnp.pad(gmb[:, :, 0], ((0, 0), (0, _NMP - _NM))).reshape(-1)
    g1 = jnp.pad(gmb[:, :, 1], ((0, 0), (0, _NMP - _NM))).reshape(-1)
    gm = jnp.pad(gold_mention_bounds_mask.astype(jnp.int32),
                 ((0, 0), (0, _NMP - _NM))).reshape(-1)
    mb = mention_bounds.astype(jnp.int32)
    c0 = mb[:, :, 0].reshape(-1)
    c1 = mb[:, :, 1].reshape(-1)
    x_flat = mention_logits.reshape(-1)

    mesh = plsc.VectorSubcoreMesh(core_axis_name="c", subcore_axis_name="s")
    bparts = pl.kernel(
        _sc_match,
        out_type=jax.ShapeDtypeStruct((_NW * 16,), jnp.float32),
        mesh=mesh,
        compiler_params=pltpu.CompilerParams(needs_layout_passes=False),
        scratch_types=[
            pltpu.VMEM((_CPW,), jnp.int32),
            pltpu.VMEM((_CPW,), jnp.int32),
            pltpu.VMEM((_CPW,), jnp.float32),
            pltpu.VMEM((_NMP,), jnp.int32),
            pltpu.VMEM((_NMP,), jnp.int32),
            pltpu.VMEM((_NMP,), jnp.int32),
            pltpu.VMEM((_T,), jnp.int32),
            pltpu.VMEM((16,), jnp.float32),
            pltpu.SemaphoreType.DMA,
        ],
    )(g0, g1, gm, c0, c1, x_flat)

    out = pl.pallas_call(
        _bce_kernel,
        in_specs=[
            pl.BlockSpec((_BS, _AM), lambda: (0, 0)),
            pl.BlockSpec((1, _NW * 16), lambda: (0, 0)),
        ],
        out_specs=pl.BlockSpec((1, 1), lambda: (0, 0),
                               memory_space=pltpu.SMEM),
        out_shape=jax.ShapeDtypeStruct((1, 1), jnp.float32),
    )(mention_logits, bparts.reshape(1, _NW * 16))
    return out.reshape(())

# --- scband reference (transcript-rebuilt; emitter-appended) ---
"""Pipeline reference for scband-mention-loss-57337813401648 (READ-ONLY COPY).

The authoritative reference and input builder live on the scoring server;
editing this copy changes nothing except your own understanding.
"""

import jax, jax.numpy as jnp
import numpy as np

BS = 16
NUM_MENTIONS = 200
ALL_MENTIONS = 8192
SEQ = 8192


def setup_inputs(seed: int = 0) -> dict:
    key = jax.random.key(seed)
    k1, k2, k3, k4 = jax.random.split(key, 4)
    gold_mention_bounds = jax.random.randint(k1, (BS, NUM_MENTIONS, 2), 0, SEQ)
    gold_mention_bounds_mask = jax.random.randint(k2, (BS, NUM_MENTIONS), 0, 2).astype(jnp.bool_)
    mention_logits = jax.random.normal(k3, (BS, ALL_MENTIONS), dtype=jnp.float32)
    mention_bounds = jax.random.randint(k4, (BS, ALL_MENTIONS, 2), 0, SEQ)
    return {
        "gold_mention_bounds": gold_mention_bounds,
        "gold_mention_bounds_mask": gold_mention_bounds_mask,
        "mention_logits": mention_logits,
        "mention_bounds": mention_bounds,
    }


def reference(gold_mention_bounds, gold_mention_bounds_mask, mention_logits, mention_bounds):
    # gold_mention_bounds[:, :, 1] -= 1  (functional)
    gmb = gold_mention_bounds.at[:, :, 1].add(-1)
    # gold_mention_bounds[~mask] = -1
    gmb = jnp.where(gold_mention_bounds_mask[:, :, None], gmb, -1)
    # pairwise exact bound match: (bs, num_mentions, all_mentions)
    diff = jnp.abs(mention_bounds[:, None, :, :] - gmb[:, :, None, :]).sum(-1)
    match = (diff == 0)
    # scatter 1s at matching (batch, candidate) positions == any over gold axis
    gold_mention_binary = match.any(axis=1).astype(mention_logits.dtype)
    # mask out -inf logits
    mask = (mention_logits != -jnp.inf)
    x = mention_logits
    y = gold_mention_binary
    # BCEWithLogitsLoss (stable form), mean over masked elements
    bce = jnp.maximum(x, 0.0) - x * y + jnp.log1p(jnp.exp(-jnp.abs(x)))
    span_loss = jnp.sum(jnp.where(mask, bce, 0.0)) / jnp.sum(mask).astype(x.dtype)
    return span_loss

if __name__ == "__main__":
    import jax
    _d = setup_inputs()
    print(jax.jit(kernel)(*tuple(_d.values())))

</pallas_src>

<mosaic_0001>
#map = affine_map<(d0, d1) -> (0)>
module attributes {stable_mosaic.version = 14 : i64} {
  func.func @_sc_match(%arg0: i32, %arg1: i32, %arg2: memref<3328xi32, #tpu.memory_space<hbm>>, %arg3: memref<3328xi32, #tpu.memory_space<hbm>>, %arg4: memref<3328xi32, #tpu.memory_space<hbm>>, %arg5: memref<131072xi32, #tpu.memory_space<hbm>>, %arg6: memref<131072xi32, #tpu.memory_space<hbm>>, %arg7: memref<131072xf32, #tpu.memory_space<hbm>>, %arg8: memref<512xf32, #tpu.memory_space<hbm>>, %arg9: memref<4096xi32, #tpu.memory_space<vmem>>, %arg10: memref<4096xi32, #tpu.memory_space<vmem>>, %arg11: memref<4096xf32, #tpu.memory_space<vmem>>, %arg12: memref<208xi32, #tpu.memory_space<vmem>>, %arg13: memref<208xi32, #tpu.memory_space<vmem>>, %arg14: memref<208xi32, #tpu.memory_space<vmem>>, %arg15: memref<8192xi32, #tpu.memory_space<vmem>>, %arg16: memref<16xf32, #tpu.memory_space<vmem>>, %arg17: memref<!tpu.dma_semaphore, #tpu.memory_space<semaphore_mem>>) attributes {dimension_semantics = [#tpu.dimension_semantics<core_parallel>, #tpu.dimension_semantics<subcore_parallel>], iteration_bounds = array<i64: 2, 16>, scalar_prefetch = 0 : i64, scratch_operands = 9 : i64, tpu.core_type = #tpu.core_type<sc_vector_subcore>, window_params = [{transform_indices = #map}, {transform_indices = #map}, {transform_indices = #map}, {transform_indices = #map}, {transform_indices = #map}, {transform_indices = #map}, {transform_indices = #map}]} {
    %mul3A = arith.constant 2 : i32
    %mul3A_0 = arith.muli %arg1, %mul3A : i32
    %add3A = arith.addi %mul3A_0, %arg0 : i32
    %jit3A = arith.constant 2 : i32
    %div3A = arith.divsi %add3A, %jit3A : i32
    %sign3A = arith.constant 0 : i32
    %sign3A_1 = arith.cmpi sgt, %add3A, %sign3A : i32
    %sign3A_2 = arith.extui %sign3A_1 : i1 to i32
    %sign3A_3 = arith.constant 0 : i32
    %sign3A_4 = arith.cmpi slt, %add3A, %sign3A_3 : i32
    %sign3A_5 = arith.extui %sign3A_4 : i1 to i32
    %sign3A_6 = arith.subi %sign3A_2, %sign3A_5 : i32
    %sign3A_7 = arith.constant 0 : i32
    %sign3A_8 = arith.cmpi sgt, %jit3A, %sign3A_7 : i32
    %sign3A_9 = arith.extui %sign3A_8 : i1 to i32
    %sign3A_10 = arith.constant 0 : i32
    %sign3A_11 = arith.cmpi slt, %jit3A, %sign3A_10 : i32
    %sign3A_12 = arith.extui %sign3A_11 : i1 to i32
    %sign3A_13 = arith.subi %sign3A_9, %sign3A_12 : i32
    %ne3A = arith.cmpi ne, %sign3A_6, %sign3A_13 : i32
    %rem3A = arith.remsi %add3A, %jit3A : i32
    %ne3A_14 = arith.constant 0 : i32
    %ne3A_15 = arith.cmpi ne, %rem3A, %ne3A_14 : i32
    %and3A = arith.andi %ne3A, %ne3A_15 : i1
    %sub3A = arith.constant 1 : i32
    %sub3A_16 = arith.subi %div3A, %sub3A : i32
    %select_n3A = arith.select %and3A, %sub3A_16, %div3A : i32
    %mul3A_17 = arith.constant 208 : i32
    %mul3A_18 = arith.muli %select_n3A, %mul3A_17 : i32
    %dma_start3A = tpu.memref_slice %arg2[%mul3A_18] : memref<3328xi32, #tpu.memory_space<hbm>> -> memref<208xi32, #tpu.memory_space<hbm>>
    %dma_start3A_19 = tpu.memref_slice %arg2[%mul3A_18] : memref<3328xi32, #tpu.memory_space<hbm>> -> memref<208xi32, #tpu.memory_space<hbm>>
    tpu.enqueue_dma source(%dma_start3A_19 : memref<208xi32, #tpu.memory_space<hbm>>) target(%arg12 : memref<208xi32, #tpu.memory_space<vmem>>) target_semaphore(%arg17 : memref<!tpu.dma_semaphore, #tpu.memory_space<semaphore_mem>>)
    %mul3A_20 = arith.constant 208 : i32
    %mul3A_21 = arith.muli %select_n3A, %mul3A_20 : i32
    %dma_start3A_22 = tpu.memref_slice %arg3[%mul3A_21] : memref<3328xi32, #tpu.memory_space<hbm>> -> memref<208xi32, #tpu.memory_space<hbm>>
    %dma_start3A_23 = tpu.memref_slice %arg3[%mul3A_21] : memref<3328xi32, #tpu.memory_space<hbm>> -> memref<208xi32, #tpu.memory_space<hbm>>
    tpu.enqueue_dma source(%dma_start3A_23 : memref<208xi32, #tpu.memory_space<hbm>>) target(%arg13 : memref<208xi32, #tpu.memory_space<vmem>>) target_semaphore(%arg17 : memref<!tpu.dma_semaphore, #tpu.memory_space<semaphore_mem>>)
    %mul3A_24 = arith.constant 208 : i32
    %mul3A_25 = arith.muli %select_n3A, %mul3A_24 : i32
    %dma_start3A_26 = tpu.memref_slice %arg4[%mul3A_25] : memref<3328xi32, #tpu.memory_space<hbm>> -> memref<208xi32, #tpu.memory_space<hbm>>
    %dma_start3A_27 = tpu.memref_slice %arg4[%mul3A_25] : memref<3328xi32, #tpu.memory_space<hbm>> -> memref<208xi32, #tpu.memory_space<hbm>>
    tpu.enqueue_dma source(%dma_start3A_27 : memref<208xi32, #tpu.memory_space<hbm>>) target(%arg14 : memref<208xi32, #tpu.memory_space<vmem>>) target_semaphore(%arg17 : memref<!tpu.dma_semaphore, #tpu.memory_space<semaphore_mem>>)
    %mul3A_28 = arith.constant 4096 : i32
    %mul3A_29 = arith.muli %add3A, %mul3A_28 : i32
    %dma_start3A_30 = tpu.memref_slice %arg5[%mul3A_29] : memref<131072xi32, #tpu.memory_space<hbm>> -> memref<4096xi32, #tpu.memory_space<hbm>>
    %dma_start3A_31 = tpu.memref_slice %arg5[%mul3A_29] : memref<131072xi32, #tpu.memory_space<hbm>> -> memref<4096xi32, #tpu.memory_space<hbm>>
    tpu.enqueue_dma source(%dma_start3A_31 : memref<4096xi32, #tpu.memory_space<hbm>>) target(%arg9 : memref<4096xi32, #tpu.memory_space<vmem>>) target_semaphore(%arg17 : memref<!tpu.dma_semaphore, #tpu.memory_space<semaphore_mem>>)
    %mul3A_32 = arith.constant 4096 : i32
    %mul3A_33 = arith.muli %add3A, %mul3A_32 : i32
    %dma_start3A_34 = tpu.memref_slice %arg6[%mul3A_33] : memref<131072xi32, #tpu.memory_space<hbm>> -> memref<4096xi32, #tpu.memory_space<hbm>>
    %dma_start3A_35 = tpu.memref_slice %arg6[%mul3A_33] : memref<131072xi32, #tpu.memory_space<hbm>> -> memref<4096xi32, #tpu.memory_space<hbm>>
    tpu.enqueue_dma source(%dma_start3A_35 : memref<4096xi32, #tpu.memory_space<hbm>>) target(%arg10 : memref<4096xi32, #tpu.memory_space<vmem>>) target_semaphore(%arg17 : memref<!tpu.dma_semaphore, #tpu.memory_space<semaphore_mem>>)
    %mul3A_36 = arith.constant 4096 : i32
    %mul3A_37 = arith.muli %add3A, %mul3A_36 : i32
    %dma_start3A_38 = tpu.memref_slice %arg7[%mul3A_37] : memref<131072xf32, #tpu.memory_space<hbm>> -> memref<4096xf32, #tpu.memory_space<hbm>>
    %dma_start3A_39 = tpu.memref_slice %arg7[%mul3A_37] : memref<131072xf32, #tpu.memory_space<hbm>> -> memref<4096xf32, #tpu.memory_space<hbm>>
    tpu.enqueue_dma source(%dma_start3A_39 : memref<4096xf32, #tpu.memory_space<hbm>>) target(%arg11 : memref<4096xf32, #tpu.memory_space<vmem>>) target_semaphore(%arg17 : memref<!tpu.dma_semaphore, #tpu.memory_space<semaphore_mem>>)
    %broadcast_in_dim3A = arith.constant -1 : i32
    %broadcast_in_dim3A_40 = vector.broadcast %broadcast_in_dim3A : i32 to vector<16xi32>
    %scan3A = arith.constant 0 : i32
    %scan3A_41 = arith.constant 0 : i32
    %scan3A_42 = arith.constant 512 : i32
    %scan3A_43 = arith.addi %scan3A_41, %scan3A_42 : i32
    %scan3A_44 = arith.constant 8 : i32
    scf.for %scan3A_72 = %scan3A_41 to %scan3A_43 step %scan3A_44  : i32 {
      %mul3A_73 = arith.constant 16 : i32
      %mul3A_74 = arith.muli %scan3A_72, %mul3A_73 : i32
      %swap3A = arith.index_cast %mul3A_74 : i32 to index
      %swap3A_75 = tpu.vector_load %arg15[%swap3A] {strides = array<i32>} : memref<8192xi32, #tpu.memory_space<vmem>>, vector<16xi32>,
      tpu.vector_store %arg15[%swap3A], %broadcast_in_dim3A_40 {strides = array<i32>} : memref<8192xi32, #tpu.memory_space<vmem>>, vector<16xi32>,
      %scan3A_76 = arith.constant 1 : i32
      %scan3A_77 = arith.addi %scan3A_72, %scan3A_76 : i32
      %mul3A_78 = arith.constant 16 : i32
      %mul3A_79 = arith.muli %scan3A_77, %mul3A_78 : i32
      %swap3A_80 = arith.index_cast %mul3A_79 : i32 to index
      %swap3A_81 = tpu.vector_load %arg15[%swap3A_80] {strides = array<i32>} : memref<8192xi32, #tpu.memory_space<vmem>>, vector<16xi32>,
      tpu.vector_store %arg15[%swap3A_80], %broadcast_in_dim3A_40 {strides = array<i32>} : memref<8192xi32, #tpu.memory_space<vmem>>, vector<16xi32>,
      %scan3A_82 = arith.constant 2 : i32
      %scan3A_83 = arith.addi %scan3A_72, %scan3A_82 : i32
      %mul3A_84 = arith.constant 16 : i32
      %mul3A_85 = arith.muli %scan3A_83, %mul3A_84 : i32
      %swap3A_86 = arith.index_cast %mul3A_85 : i32 to index
      %swap3A_87 = tpu.vector_load %arg15[%swap3A_86] {strides = array<i32>} : memref<8192xi32, #tpu.memory_space<vmem>>, vector<16xi32>,
      tpu.vector_store %arg15[%swap3A_86], %broadcast_in_dim3A_40 {strides = array<i32>} : memref<8192xi32, #tpu.memory_space<vmem>>, vector<16xi32>,
      %scan3A_88 = arith.constant 3 : i32
      %scan3A_89 = arith.addi %scan3A_72, %scan3A_88 : i32
      %mul3A_90 = arith.constant 16 : i32
      %mul3A_91 = arith.muli %scan3A_89, %mul3A_90 : i32
      %swap3A_92 = arith.index_cast %mul3A_91 : i32 to index
      %swap3A_93 = tpu.vector_load %arg15[%swap3A_92] {strides = array<i32>} : memref<8192xi32, #tpu.memory_space<vmem>>, vector<16xi32>,
      tpu.vector_store %arg15[%swap3A_92], %broadcast_in_dim3A_40 {strides = array<i32>} : memref<8192xi32, #tpu.memory_space<vmem>>, vector<16xi32>,
      %scan3A_94 = arith.constant 4 : i32
      %scan3A_95 = arith.addi %scan3A_72, %scan3A_94 : i32
      %mul3A_96 = arith.constant 16 : i32
      %mul3A_97 = arith.muli %scan3A_95, %mul3A_96 : i32
      %swap3A_98 = arith.index_cast %mul3A_97 : i32 to index
      %swap3A_99 = tpu.vector_load %arg15[%swap3A_98] {strides = array<i32>} : memref<8192xi32, #tpu.memory_space<vmem>>, vector<16xi32>,
      tpu.vector_store %arg15[%swap3A_98], %broadcast_in_dim3A_40 {strides = array<i32>} : memref<8192xi32, #tpu.memory_space<vmem>>, vector<16xi32>,
      %scan3A_100 = arith.constant 5 : i32
      %scan3A_101 = arith.addi %scan3A_72, %scan3A_100 : i32
      %mul3A_102 = arith.constant 16 : i32
      %mul3A_103 = arith.muli %scan3A_101, %mul3A_102 : i32
      %swap3A_104 = arith.index_cast %mul3A_103 : i32 to index
      %swap3A_105 = tpu.vector_load %arg15[%swap3A_104] {strides = array<i32>} : memref<8192xi32, #tpu.memory_space<vmem>>, vector<16xi32>,
      tpu.vector_store %arg15[%swap3A_104], %broadcast_in_dim3A_40 {strides = array<i32>} : memref<8192xi32, #tpu.memory_space<vmem>>, vector<16xi32>,
      %scan3A_106 = arith.constant 6 : i32
      %scan3A_107 = arith.addi %scan3A_72, %scan3A_106 : i32
      %mul3A_108 = arith.constant 16 : i32
      %mul3A_109 = arith.muli %scan3A_107, %mul3A_108 : i32
      %swap3A_110 = arith.index_cast %mul3A_109 : i32 to index
      %swap3A_111 = tpu.vector_load %arg15[%swap3A_110] {strides = array<i32>} : memref<8192xi32, #tpu.memory_space<vmem>>, vector<16xi32>,
      tpu.vector_store %arg15[%swap3A_110], %broadcast_in_dim3A_40 {strides = array<i32>} : memref<8192xi32, #tpu.memory_space<vmem>>, vector<16xi32>,
      %scan3A_112 = arith.constant 7 : i32
      %scan3A_113 = arith.addi %scan3A_72, %scan3A_112 : i32
      %mul3A_114 = arith.constant 16 : i32
      %mul3A_115 = arith.muli %scan3A_113, %mul3A_114 : i32
      %swap3A_116 = arith.index_cast %mul3A_115 : i32 to index
      %swap3A_117 = tpu.vector_load %arg15[%swap3A_116] {strides = array<i32>} : memref<8192xi32, #tpu.memory_space<vmem>>, vector<16xi32>,
      tpu.vector_store %arg15[%swap3A_116], %broadcast_in_dim3A_40 {strides = array<i32>} : memref<8192xi32, #tpu.memory_space<vmem>>, vector<16xi32>,
    }
    %scan3A_45 = arith.constant 512 : i32
    %dma_wait3A = tpu.memref_slice %arg2[%mul3A_18] : memref<3328xi32, #tpu.memory_space<hbm>> -> memref<208xi32, #tpu.memory_space<hbm>>
    %dma_wait3A_46 = tpu.memref_slice %arg2[%mul3A_18] : memref<3328xi32, #tpu.memory_space<hbm>> -> memref<208xi32, #tpu.memory_space<hbm>>
    tpu.wait_dma2 semaphore(%arg17 : memref<!tpu.dma_semaphore, #tpu.memory_space<semaphore_mem>>) src(%dma_wait3A_46 : memref<208xi32, #tpu.memory_space<hbm>>) dst(%arg12 : memref<208xi32, #tpu.memory_space<vmem>>)
    %dma_wait3A_47 = tpu.memref_slice %arg3[%mul3A_21] : memref<3328xi32, #tpu.memory_space<hbm>> -> memref<208xi32, #tpu.memory_space<hbm>>
    %dma_wait3A_48 = tpu.memref_slice %arg3[%mul3A_21] : memref<3328xi32, #tpu.memory_space<hbm>> -> memref<208xi32, #tpu.memory_space<hbm>>
    tpu.wait_dma2 semaphore(%arg17 : memref<!tpu.dma_semaphore, #tpu.memory_space<semaphore_mem>>) src(%dma_wait3A_48 : memref<208xi32, #tpu.memory_space<hbm>>) dst(%arg13 : memref<208xi32, #tpu.memory_space<vmem>>)
    %dma_wait3A_49 = tpu.memref_slice %arg4[%mul3A_25] : memref<3328xi32, #tpu.memory_space<hbm>> -> memref<208xi32, #tpu.memory_space<hbm>>
    %dma_wait3A_50 = tpu.memref_slice %arg4[%mul3A_25] : memref<3328xi32, #tpu.memory_space<hbm>> -> memref<208xi32, #tpu.memory_space<hbm>>
    tpu.wait_dma2 semaphore(%arg17 : memref<!tpu.dma_semaphore, #tpu.memory_space<semaphore_mem>>) src(%dma_wait3A_50 : memref<208xi32, #tpu.memory_space<hbm>>) dst(%arg14 : memref<208xi32, #tpu.memory_space<vmem>>)
    %scan3A_51 = arith.constant 0 : i32
    %scan3A_52 = arith.constant 0 : i32
    %scan3A_53 = arith.constant 13 : i32
    %scan3A_54 = arith.addi %scan3A_52, %scan3A_53 : i32
    %scan3A_55 = arith.constant 1 : i32
    %scan3A_56 = scf.for %scan3A_72 = %scan3A_52 to %scan3A_54 step %scan3A_55 iter_args(%scan3A_73 = %scan3A_51) -> (i32)  : i32 {
      %mul3A_74 = arith.constant 16 : i32
      %mul3A_75 = arith.muli %scan3A_72, %mul3A_74 : i32
      %get3A = arith.index_cast %mul3A_75 : i32 to index
      %get3A_76 = tpu.vector_load %arg12[%get3A] {strides = array<i32>} : memref<208xi32, #tpu.memory_space<vmem>>, vector<16xi32>,
      %mul3A_77 = arith.constant 16384 : i32
      %mul3A_78 = vector.broadcast %mul3A_77 : i32 to vector<16xi32>
      %mul3A_79 = arith.muli %get3A_76, %mul3A_78 : vector<16xi32>
      %get3A_80 = arith.index_cast %mul3A_75 : i32 to index
      %get3A_81 = tpu.vector_load %arg13[%get3A_80] {strides = array<i32>} : memref<208xi32, #tpu.memory_space<vmem>>, vector<16xi32>,
      %add3A_82 = arith.addi %mul3A_79, %get3A_81 : vector<16xi32>
      %sub3A_83 = arith.constant 1 : i32
      %sub3A_84 = vector.broadcast %sub3A_83 : i32 to vector<16xi32>
      %sub3A_85 = arith.subi %add3A_82, %sub3A_84 : vector<16xi32>
      %get3A_86 = arith.index_cast %mul3A_75 : i32 to index
      %get3A_87 = tpu.vector_load %arg14[%get3A_86] {strides = array<i32>} : memref<208xi32, #tpu.memory_space<vmem>>, vector<16xi32>,
      %ne3A_88 = arith.constant 0 : i32
      %ne3A_89 = vector.broadcast %ne3A_88 : i32 to vector<16xi32>
      %ne3A_90 = arith.cmpi ne, %get3A_87, %ne3A_89 : vector<16xi32>
      %mul3A_91 = arith.constant -1640531535 : i32
      %mul3A_92 = vector.broadcast %mul3A_91 : i32 to vector<16xi32>
      %mul3A_93 = arith.muli %sub3A_85, %mul3A_92 : vector<16xi32>
      %shift_right_logical3A = arith.constant 19 : i32
      %shift_right_logical3A_94 = vector.broadcast %shift_right_logical3A : i32 to vector<16xi32>
      %shift_right_logical3A_95 = arith.shrui %mul3A_93, %shift_right_logical3A_94 : vector<16xi32>
      %and3A_96 = arith.constant 8191 : i32
      %and3A_97 = vector.broadcast %and3A_96 : i32 to vector<16xi32>
      %and3A_98 = arith.andi %shift_right_logical3A_95, %and3A_97 : vector<16xi32>
      %while3A = arith.constant 0 : i32
      %while3A_99:3 = scf.while (%while3A_100 = %ne3A_90, %while3A_101 = %and3A_98, %while3A_102 = %while3A) : (vector<16xi1>, vector<16xi32>, i32) -> (vector<16xi1>, vector<16xi32>, i32) {
        %reduce_or3A = arith.constant 1.000000e+00 : f32
        %reduce_or3A_103 = arith.constant 0.000000e+00 : f32
        %reduce_or3A_104 = vector.broadcast %reduce_or3A : f32 to vector<16xf32>
        %reduce_or3A_105 = vector.broadcast %reduce_or3A_103 : f32 to vector<16xf32>
        %reduce_or3A_106 = arith.select %while3A_100, %reduce_or3A_104, %reduce_or3A_105 : vector<16xi1>, vector<16xf32>
        %reduce_or3A_107 = arith.constant true
        %reduce_or3A_108 = vector.broadcast %reduce_or3A_107 : i1 to vector<16xi1>
        %reduce_or3A_109 = tpu.scan <max>, %reduce_or3A_106 masked %reduce_or3A_108 : vector<16xf32>, vector<16xi1> -> vector<16xf32>
        %reduce_or3A_110 = vector.extract %reduce_or3A_109[15] : f32 from vector<16xf32>
        %reduce_or3A_111 = arith.constant 0.000000e+00 : f32
        %reduce_or3A_112 = arith.cmpf ogt, %reduce_or3A_110, %reduce_or3A_111 : f32
        scf.condition(%reduce_or3A_112) %while3A_100, %while3A_101, %while3A_102 : vector<16xi1>, vector<16xi32>, i32
      } do {
      ^bb0(%while3A_100: vector<16xi1>, %while3A_101: vector<16xi32>, %while3A_102: i32):
        %gather3A = tpu.vector_load_idx %arg15[%while3A_101] : memref<8192xi32, #tpu.memory_space<vmem>>[vector<16xi32>], vector<16xi32>,
        %eq3A = arith.constant -1 : i32
        %eq3A_103 = vector.broadcast %eq3A : i32 to vector<16xi32>
        %eq3A_104 = arith.cmpi eq, %gather3A, %eq3A_103 : vector<16xi32>
        %and3A_105 = arith.andi %while3A_100, %eq3A_104 : vector<16xi1>
        tpu.vector_store_idx %arg15[%while3A_101], %sub3A_85 masked %and3A_105 : memref<8192xi32, #tpu.memory_space<vmem>>[vector<16xi32>], vector<16xi32>, vector<16xi1>
        %gather3A_106 = tpu.vector_load_idx %arg15[%while3A_101] : memref<8192xi32, #tpu.memory_space<vmem>>[vector<16xi32>], vector<16xi32>,
        %ne3A_107 = arith.cmpi ne, %gather3A_106, %sub3A_85 : vector<16xi32>
        %and3A_108 = arith.andi %while3A_100, %ne3A_107 : vector<16xi1>
        %add3A_109 = arith.constant 1 : i32
        %add3A_110 = vector.broadcast %add3A_109 : i32 to vector<16xi32>
        %add3A_111 = arith.addi %while3A_101, %add3A_110 : vector<16xi32>
        %and3A_112 = arith.constant 8191 : i32
        %and3A_113 = vector.broadcast %and3A_112 : i32 to vector<16xi32>
        %and3A_114 = arith.andi %add3A_111, %and3A_113 : vector<16xi32>
        %add3A_115 = arith.constant 1 : i32
        %add3A_116 = arith.addi %while3A_102, %add3A_115 : i32
        scf.yield %and3A_108, %and3A_114, %add3A_116 : vector<16xi1>, vector<16xi32>, i32
      }
      %max3A = arith.maxsi %scan3A_73, %while3A_99#2 : i32
      scf.yield %max3A : i32
    }
    %scan3A_57 = arith.constant 13 : i32
    %dma_wait3A_58 = tpu.memref_slice %arg5[%mul3A_29] : memref<131072xi32, #tpu.memory_space<hbm>> -> memref<4096xi32, #tpu.memory_space<hbm>>
    %dma_wait3A_59 = tpu.memref_slice %arg5[%mul3A_29] : memref<131072xi32, #tpu.memory_space<hbm>> -> memref<4096xi32, #tpu.memory_space<hbm>>
    tpu.wait_dma2 semaphore(%arg17 : memref<!tpu.dma_semaphore, #tpu.memory_space<semaphore_mem>>) src(%dma_wait3A_59 : memref<4096xi32, #tpu.memory_space<hbm>>) dst(%arg9 : memref<4096xi32, #tpu.memory_space<vmem>>)
    %dma_wait3A_60 = tpu.memref_slice %arg6[%mul3A_33] : memref<131072xi32, #tpu.memory_space<hbm>> -> memref<4096xi32, #tpu.memory_space<hbm>>
    %dma_wait3A_61 = tpu.memref_slice %arg6[%mul3A_33] : memref<131072xi32, #tpu.memory_space<hbm>> -> memref<4096xi32, #tpu.memory_space<hbm>>
    tpu.wait_dma2 semaphore(%arg17 : memref<!tpu.dma_semaphore, #tpu.memory_space<semaphore_mem>>) src(%dma_wait3A_61 : memref<4096xi32, #tpu.memory_space<hbm>>) dst(%arg10 : memref<4096xi32, #tpu.memory_space<vmem>>)
    %dma_wait3A_62 = tpu.memref_slice %arg7[%mul3A_37] : memref<131072xf32, #tpu.memory_space<hbm>> -> memref<4096xf32, #tpu.memory_space<hbm>>
    %dma_wait3A_63 = tpu.memref_slice %arg7[%mul3A_37] : memref<131072xf32, #tpu.memory_space<hbm>> -> memref<4096xf32, #tpu.memory_space<hbm>>
    tpu.wait_dma2 semaphore(%arg17 : memref<!tpu.dma_semaphore, #tpu.memory_space<semaphore_mem>>) src(%dma_wait3A_63 : memref<4096xf32, #tpu.memory_space<hbm>>) dst(%arg11 : memref<4096xf32, #tpu.memory_space<vmem>>)
    %le3A = arith.constant 4 : i32
    %le3A_64 = arith.cmpi sle, %scan3A_56, %le3A : i32
    %convert_element_type3A = arith.extui %le3A_64 : i1 to i32
    %cond3A = arith.constant 0 : i32
    %cond3A_65 = arith.cmpi ne, %convert_element_type3A, %cond3A : i32
    scf.if %cond3A_65 {
      %broadcast_in_dim3A_72 = arith.constant 0.000000e+00 : f32
      %broadcast_in_dim3A_73 = vector.broadcast %broadcast_in_dim3A_72 : f32 to vector<16xf32>
      %scan3A_74 = arith.constant 0 : i32
      %scan3A_75 = arith.constant 256 : i32
      %scan3A_76 = arith.addi %scan3A_74, %scan3A_75 : i32
      %scan3A_77 = arith.constant 4 : i32
      %scan3A_78 = scf.for %scan3A_81 = %scan3A_74 to %scan3A_76 step %scan3A_77 iter_args(%scan3A_82 = %broadcast_in_dim3A_73) -> (vector<16xf32>)  : i32 {
        %mul3A_83 = arith.constant 16 : i32
        %mul3A_84 = arith.muli %scan3A_81, %mul3A_83 : i32
        %get3A = arith.index_cast %mul3A_84 : i32 to index
        %get3A_85 = tpu.vector_load %arg9[%get3A] {strides = array<i32>} : memref<4096xi32, #tpu.memory_space<vmem>>, vector<16xi32>,
        %mul3A_86 = arith.constant 16384 : i32
        %mul3A_87 = vector.broadcast %mul3A_86 : i32 to vector<16xi32>
        %mul3A_88 = arith.muli %get3A_85, %mul3A_87 : vector<16xi32>
        %get3A_89 = arith.index_cast %mul3A_84 : i32 to index
        %get3A_90 = tpu.vector_load %arg10[%get3A_89] {strides = array<i32>} : memref<4096xi32, #tpu.memory_space<vmem>>, vector<16xi32>,
        %add3A_91 = arith.addi %mul3A_88, %get3A_90 : vector<16xi32>
        %mul3A_92 = arith.constant -1640531535 : i32
        %mul3A_93 = vector.broadcast %mul3A_92 : i32 to vector<16xi32>
        %mul3A_94 = arith.muli %add3A_91, %mul3A_93 : vector<16xi32>
        %shift_right_logical3A = arith.constant 19 : i32
        %shift_right_logical3A_95 = vector.broadcast %shift_right_logical3A : i32 to vector<16xi32>
        %shift_right_logical3A_96 = arith.shrui %mul3A_94, %shift_right_logical3A_95 : vector<16xi32>
        %and3A_97 = arith.constant 8191 : i32
        %and3A_98 = vector.broadcast %and3A_97 : i32 to vector<16xi32>
        %and3A_99 = arith.andi %shift_right_logical3A_96, %and3A_98 : vector<16xi32>
        %gather3A = tpu.vector_load_idx %arg15[%and3A_99] : memref<8192xi32, #tpu.memory_space<vmem>>[vector<16xi32>], vector<16xi32>,
        %eq3A = arith.cmpi eq, %gather3A, %add3A_91 : vector<16xi32>
        %add3A_100 = arith.constant 1 : i32
        %add3A_101 = vector.broadcast %add3A_100 : i32 to vector<16xi32>
        %add3A_102 = arith.addi %and3A_99, %add3A_101 : vector<16xi32>
        %and3A_103 = arith.constant 8191 : i32
        %and3A_104 = vector.broadcast %and3A_103 : i32 to vector<16xi32>
        %and3A_105 = arith.andi %add3A_102, %and3A_104 : vector<16xi32>
        %gather3A_106 = tpu.vector_load_idx %arg15[%and3A_105] : memref<8192xi32, #tpu.memory_space<vmem>>[vector<16xi32>], vector<16xi32>,
        %eq3A_107 = arith.cmpi eq, %gather3A_106, %add3A_91 : vector<16xi32>
        %or3A = arith.ori %eq3A, %eq3A_107 : vector<16xi1>
        %add3A_108 = arith.constant 2 : i32
        %add3A_109 = vector.broadcast %add3A_108 : i32 to vector<16xi32>
        %add3A_110 = arith.addi %and3A_99, %add3A_109 : vector<16xi32>
        %and3A_111 = arith.constant 8191 : i32
        %and3A_112 = vector.broadcast %and3A_111 : i32 to vector<16xi32>
        %and3A_113 = arith.andi %add3A_110, %and3A_112 : vector<16xi32>
        %gather3A_114 = tpu.vector_load_idx %arg15[%and3A_113] : memref<8192xi32, #tpu.memory_space<vmem>>[vector<16xi32>], vector<16xi32>,
        %eq3A_115 = arith.cmpi eq, %gather3A_114, %add3A_91 : vector<16xi32>
        %or3A_116 = arith.ori %or3A, %eq3A_115 : vector<16xi1>
        %add3A_117 = arith.constant 3 : i32
        %add3A_118 = vector.broadcast %add3A_117 : i32 to vector<16xi32>
        %add3A_119 = arith.addi %and3A_99, %add3A_118 : vector<16xi32>
        %and3A_120 = arith.constant 8191 : i32
        %and3A_121 = vector.broadcast %and3A_120 : i32 to vector<16xi32>
        %and3A_122 = arith.andi %add3A_119, %and3A_121 : vector<16xi32>
        %gather3A_123 = tpu.vector_load_idx %arg15[%and3A_122] : memref<8192xi32, #tpu.memory_space<vmem>>[vector<16xi32>], vector<16xi32>,
        %eq3A_124 = arith.cmpi eq, %gather3A_123, %add3A_91 : vector<16xi32>
        %or3A_125 = arith.ori %or3A_116, %eq3A_124 : vector<16xi1>
        %get3A_126 = arith.index_cast %mul3A_84 : i32 to index
        %get3A_127 = tpu.vector_load %arg11[%get3A_126] {strides = array<i32>} : memref<4096xf32, #tpu.memory_space<vmem>>, vector<16xf32>,
        %ne3A_128 = arith.constant 0xFF800000 : f32
        %ne3A_129 = vector.broadcast %ne3A_128 : f32 to vector<16xf32>
        %ne3A_130 = arith.cmpf one, %get3A_127, %ne3A_129 : vector<16xf32>
        %and3A_131 = arith.andi %or3A_125, %ne3A_130 : vector<16xi1>
        %jit3A_132 = arith.constant 0.000000e+00 : f32
        %broadcast_in_dim3A_133 = vector.broadcast %jit3A_132 : f32 to vector<16xf32>
        %select_n3A_134 = arith.select %and3A_131, %get3A_127, %broadcast_in_dim3A_133 : vector<16xi1>, vector<16xf32>
        %add3A_135 = arith.addf %scan3A_82, %select_n3A_134 : vector<16xf32>
        %scan3A_136 = arith.constant 1 : i32
        %scan3A_137 = arith.addi %scan3A_81, %scan3A_136 : i32
        %mul3A_138 = arith.constant 16 : i32
        %mul3A_139 = arith.muli %scan3A_137, %mul3A_138 : i32
        %get3A_140 = arith.index_cast %mul3A_139 : i32 to index
        %get3A_141 = tpu.vector_load %arg9[%get3A_140] {strides = array<i32>} : memref<4096xi32, #tpu.memory_space<vmem>>, vector<16xi32>,
        %mul3A_142 = arith.constant 16384 : i32
        %mul3A_143 = vector.broadcast %mul3A_142 : i32 to vector<16xi32>
        %mul3A_144 = arith.muli %get3A_141, %mul3A_143 : vector<16xi32>
        %get3A_145 = arith.index_cast %mul3A_139 : i32 to index
        %get3A_146 = tpu.vector_load %arg10[%get3A_145] {strides = array<i32>} : memref<4096xi32, #tpu.memory_space<vmem>>, vector<16xi32>,
        %add3A_147 = arith.addi %mul3A_144, %get3A_146 : vector<16xi32>
        %mul3A_148 = arith.constant -1640531535 : i32
        %mul3A_149 = vector.broadcast %mul3A_148 : i32 to vector<16xi32>
        %mul3A_150 = arith.muli %add3A_147, %mul3A_149 : vector<16xi32>
        %shift_right_logical3A_151 = arith.constant 19 : i32
        %shift_right_logical3A_152 = vector.broadcast %shift_right_logical3A_151 : i32 to vector<16xi32>
        %shift_right_logical3A_153 = arith.shrui %mul3A_150, %shift_right_logical3A_152 : vector<16xi32>
        %and3A_154 = arith.constant 8191 : i32
        %and3A_155 = vector.broadcast %and3A_154 : i32 to vector<16xi32>
        %and3A_156 = arith.andi %shift_right_logical3A_153, %and3A_155 : vector<16xi32>
        %gather3A_157 = tpu.vector_load_idx %arg15[%and3A_156] : memref<8192xi32, #tpu.memory_space<vmem>>[vector<16xi32>], vector<16xi32>,
        %eq3A_158 = arith.cmpi eq, %gather3A_157, %add3A_147 : vector<16xi32>
        %add3A_159 = arith.constant 1 : i32
        %add3A_160 = vector.broadcast %add3A_159 : i32 to vector<16xi32>
        %add3A_161 = arith.addi %and3A_156, %add3A_160 : vector<16xi32>
        %and3A_162 = arith.constant 8191 : i32
        %and3A_163 = vector.broadcast %and3A_162 : i32 to vector<16xi32>
        %and3A_164 = arith.andi %add3A_161, %and3A_163 : vector<16xi32>
        %gather3A_165 = tpu.vector_load_idx %arg15[%and3A_164] : memref<8192xi32, #tpu.memory_space<vmem>>[vector<16xi32>], vector<16xi32>,
        %eq3A_166 = arith.cmpi eq, %gather3A_165, %add3A_147 : vector<16xi32>
        %or3A_167 = arith.ori %eq3A_158, %eq3A_166 : vector<16xi1>
        %add3A_168 = arith.constant 2 : i32
        %add3A_169 = vector.broadcast %add3A_168 : i32 to vector<16xi32>
        %add3A_170 = arith.addi %and3A_156, %add3A_169 : vector<16xi32>
        %and3A_171 = arith.constant 8191 : i32
        %and3A_172 = vector.broadcast %and3A_171 : i32 to vector<16xi32>
        %and3A_173 = arith.andi %add3A_170, %and3A_172 : vector<16xi32>
        %gather3A_174 = tpu.vector_load_idx %arg15[%and3A_173] : memref<8192xi32, #tpu.memory_space<vmem>>[vector<16xi32>], vector<16xi32>,
        %eq3A_175 = arith.cmpi eq, %gather3A_174, %add3A_147 : vector<16xi32>
        %or3A_176 = arith.ori %or3A_167, %eq3A_175 : vector<16xi1>
        %add3A_177 = arith.constant 3 : i32
        %add3A_178 = vector.broadcast %add3A_177 : i32 to vector<16xi32>
        %add3A_179 = arith.addi %and3A_156, %add3A_178 : vector<16xi32>
        %and3A_180 = arith.constant 8191 : i32
        %and3A_181 = vector.broadcast %and3A_180 : i32 to vector<16xi32>
        %and3A_182 = arith.andi %add3A_179, %and3A_181 : vector<16xi32>
        %gather3A_183 = tpu.vector_load_idx %arg15[%and3A_182] : memref<8192xi32, #tpu.memory_space<vmem>>[vector<16xi32>], vector<16xi32>,
        %eq3A_184 = arith.cmpi eq, %gather3A_183, %add3A_147 : vector<16xi32>
        %or3A_185 = arith.ori %or3A_176, %eq3A_184 : vector<16xi1>
        %get3A_186 = arith.index_cast %mul3A_139 : i32 to index
        %get3A_187 = tpu.vector_load %arg11[%get3A_186] {strides = array<i32>} : memref<4096xf32, #tpu.memory_space<vmem>>, vector<16xf32>,
        %ne3A_188 = arith.constant 0xFF800000 : f32
        %ne3A_189 = vector.broadcast %ne3A_188 : f32 to vector<16xf32>
        %ne3A_190 = arith.cmpf one, %get3A_187, %ne3A_189 : vector<16xf32>
        %and3A_191 = arith.andi %or3A_185, %ne3A_190 : vector<16xi1>
        %jit3A_192 = arith.constant 0.000000e+00 : f32
        %broadcast_in_dim3A_193 = vector.broadcast %jit3A_192 : f32 to vector<16xf32>
        %select_n3A_194 = arith.select %and3A_191, %get3A_187, %broadcast_in_dim3A_193 : vector<16xi1>, vector<16xf32>
        %add3A_195 = arith.addf %add3A_135, %select_n3A_194 : vector<16xf32>
        %scan3A_196 = arith.constant 2 : i32
        %scan3A_197 = arith.addi %scan3A_81, %scan3A_196 : i32
        %mul3A_198 = arith.constant 16 : i32
        %mul3A_199 = arith.muli %scan3A_197, %mul3A_198 : i32
        %get3A_200 = arith.index_cast %mul3A_199 : i32 to index
        %get3A_201 = tpu.vector_load %arg9[%get3A_200] {strides = array<i32>} : memref<4096xi32, #tpu.memory_space<vmem>>, vector<16xi32>,
        %mul3A_202 = arith.constant 16384 : i32
        %mul3A_203 = vector.broadcast %mul3A_202 : i32 to vector<16xi32>
        %mul3A_204 = arith.muli %get3A_201, %mul3A_203 : vector<16xi32>
        %get3A_205 = arith.index_cast %mul3A_199 : i32 to index
        %get3A_206 = tpu.vector_load %arg10[%get3A_205] {strides = array<i32>} : memref<4096xi32, #tpu.memory_space<vmem>>, vector<16xi32>,
        %add3A_207 = arith.addi %mul3A_204, %get3A_206 : vector<16xi32>
        %mul3A_208 = arith.constant -1640531535 : i32
        %mul3A_209 = vector.broadcast %mul3A_208 : i32 to vector<16xi32>
        %mul3A_210 = arith.muli %add3A_207, %mul3A_209 : vector<16xi32>
        %shift_right_logical3A_211 = arith.constant 19 : i32
        %shift_right_logical3A_212 = vector.broadcast %shift_right_logical3A_211 : i32 to vector<16xi32>
        %shift_right_logical3A_213 = arith.shrui %mul3A_210, %shift_right_logical3A_212 : vector<16xi32>
        %and3A_214 = arith.constant 8191 : i32
        %and3A_215 = vector.broadcast %and3A_214 : i32 to vector<16xi32>
        %and3A_216 = arith.andi %shift_right_logical3A_213, %and3A_215 : vector<16xi32>
        %gather3A_217 = tpu.vector_load_idx %arg15[%and3A_216] : memref<8192xi32, #tpu.memory_space<vmem>>[vector<16xi32>], vector<16xi32>,
        %eq3A_218 = arith.cmpi eq, %gather3A_217, %add3A_207 : vector<16xi32>
        %add3A_219 = arith.constant 1 : i32
        %add3A_220 = vector.broadcast %add3A_219 : i32 to vector<16xi32>
        %add3A_221 = arith.addi %and3A_216, %add3A_220 : vector<16xi32>
        %and3A_222 = arith.constant 8191 : i32
        %and3A_223 = vector.broadcast %and3A_222 : i32 to vector<16xi32>
        %and3A_224 = arith.andi %add3A_221, %and3A_223 : vector<16xi32>
        %gather3A_225 = tpu.vector_load_idx %arg15[%and3A_224] : memref<8192xi32, #tpu.memory_space<vmem>>[vector<16xi32>], vector<16xi32>,
        %eq3A_226 = arith.cmpi eq, %gather3A_225, %add3A_207 : vector<16xi32>
        %or3A_227 = arith.ori %eq3A_218, %eq3A_226 : vector<16xi1>
        %add3A_228 = arith.constant 2 : i32
        %add3A_229 = vector.broadcast %add3A_228 : i32 to vector<16xi32>
        %add3A_230 = arith.addi %and3A_216, %add3A_229 : vector<16xi32>
        %and3A_231 = arith.constant 8191 : i32
        %and3A_232 = vector.broadcast %and3A_231 : i32 to vector<16xi32>
        %and3A_233 = arith.andi %add3A_230, %and3A_232 : vector<16xi32>
        %gather3A_234 = tpu.vector_load_idx %arg15[%and3A_233] : memref<8192xi32, #tpu.memory_space<vmem>>[vector<16xi32>], vector<16xi32>,
        %eq3A_235 = arith.cmpi eq, %gather3A_234, %add3A_207 : vector<16xi32>
        %or3A_236 = arith.ori %or3A_227, %eq3A_235 : vector<16xi1>
        %add3A_237 = arith.constant 3 : i32
        %add3A_238 = vector.broadcast %add3A_237 : i32 to vector<16xi32>
        %add3A_239 = arith.addi %and3A_216, %add3A_238 : vector<16xi32>
        %and3A_240 = arith.constant 8191 : i32
        %and3A_241 = vector.broadcast %and3A_240 : i32 to vector<16xi32>
        %and3A_242 = arith.andi %add3A_239, %and3A_241 : vector<16xi32>
        %gather3A_243 = tpu.vector_load_idx %arg15[%and3A_242] : memref<8192xi32, #tpu.memory_space<vmem>>[vector<16xi32>], vector<16xi32>,
        %eq3A_244 = arith.cmpi eq, %gather3A_243, %add3A_207 : vector<16xi32>
        %or3A_245 = arith.ori %or3A_236, %eq3A_244 : vector<16xi1>
        %get3A_246 = arith.index_cast %mul3A_199 : i32 to index
        %get3A_247 = tpu.vector_load %arg11[%get3A_246] {strides = array<i32>} : memref<4096xf32, #tpu.memory_space<vmem>>, vector<16xf32>,
        %ne3A_248 = arith.constant 0xFF800000 : f32
        %ne3A_249 = vector.broadcast %ne3A_248 : f32 to vector<16xf32>
        %ne3A_250 = arith.cmpf one, %get3A_247, %ne3A_249 : vector<16xf32>
        %and3A_251 = arith.andi %or3A_245, %ne3A_250 : vector<16xi1>
        %jit3A_252 = arith.constant 0.000000e+00 : f32
        %broadcast_in_dim3A_253 = vector.broadcast %jit3A_252 : f32 to vector<16xf32>
        %select_n3A_254 = arith.select %and3A_251, %get3A_247, %broadcast_in_dim3A_253 : vector<16xi1>, vector<16xf32>
        %add3A_255 = arith.addf %add3A_195, %select_n3A_254 : vector<16xf32>
        %scan3A_256 = arith.constant 3 : i32
        %scan3A_257 = arith.addi %scan3A_81, %scan3A_256 : i32
        %mul3A_258 = arith.constant 16 : i32
        %mul3A_259 = arith.muli %scan3A_257, %mul3A_258 : i32
        %get3A_260 = arith.index_cast %mul3A_259 : i32 to index
        %get3A_261 = tpu.vector_load %arg9[%get3A_260] {strides = array<i32>} : memref<4096xi32, #tpu.memory_space<vmem>>, vector<16xi32>,
        %mul3A_262 = arith.constant 16384 : i32
        %mul3A_263 = vector.broadcast %mul3A_262 : i32 to vector<16xi32>
        %mul3A_264 = arith.muli %get3A_261, %mul3A_263 : vector<16xi32>
        %get3A_265 = arith.index_cast %mul3A_259 : i32 to index
        %get3A_266 = tpu.vector_load %arg10[%get3A_265] {strides = array<i32>} : memref<4096xi32, #tpu.memory_space<vmem>>, vector<16xi32>,
        %add3A_267 = arith.addi %mul3A_264, %get3A_266 : vector<16xi32>
        %mul3A_268 = arith.constant -1640531535 : i32
        %mul3A_269 = vector.broadcast %mul3A_268 : i32 to vector<16xi32>
        %mul3A_270 = arith.muli %add3A_267, %mul3A_269 : vector<16xi32>
        %shift_right_logical3A_271 = arith.constant 19 : i32
        %shift_right_logical3A_272 = vector.broadcast %shift_right_logical3A_271 : i32 to vector<16xi32>
        %shift_right_logical3A_273 = arith.shrui %mul3A_270, %shift_right_logical3A_272 : vector<16xi32>
        %and3A_274 = arith.constant 8191 : i32
        %and3A_275 = vector.broadcast %and3A_274 : i32 to vector<16xi32>
        %and3A_276 = arith.andi %shift_right_logical3A_273, %and3A_275 : vector<16xi32>
        %gather3A_277 = tpu.vector_load_idx %arg15[%and3A_276] : memref<8192xi32, #tpu.memory_space<vmem>>[vector<16xi32>], vector<16xi32>,
        %eq3A_278 = arith.cmpi eq, %gather3A_277, %add3A_267 : vector<16xi32>
        %add3A_279 = arith.constant 1 : i32
        %add3A_280 = vector.broadcast %add3A_279 : i32 to vector<16xi32>
        %add3A_281 = arith.addi %and3A_276, %add3A_280 : vector<16xi32>
        %and3A_282 = arith.constant 8191 : i32
        %and3A_283 = vector.broadcast %and3A_282 : i32 to vector<16xi32>
        %and3A_284 = arith.andi %add3A_281, %and3A_283 : vector<16xi32>
        %gather3A_285 = tpu.vector_load_idx %arg15[%and3A_284] : memref<8192xi32, #tpu.memory_space<vmem>>[vector<16xi32>], vector<16xi32>,
        %eq3A_286 = arith.cmpi eq, %gather3A_285, %add3A_267 : vector<16xi32>
        %or3A_287 = arith.ori %eq3A_278, %eq3A_286 : vector<16xi1>
        %add3A_288 = arith.constant 2 : i32
        %add3A_289 = vector.broadcast %add3A_288 : i32 to vector<16xi32>
        %add3A_290 = arith.addi %and3A_276, %add3A_289 : vector<16xi32>
        %and3A_291 = arith.constant 8191 : i32
        %and3A_292 = vector.broadcast %and3A_291 : i32 to vector<16xi32>
        %and3A_293 = arith.andi %add3A_290, %and3A_292 : vector<16xi32>
        %gather3A_294 = tpu.vector_load_idx %arg15[%and3A_293] : memref<8192xi32, #tpu.memory_space<vmem>>[vector<16xi32>], vector<16xi32>,
        %eq3A_295 = arith.cmpi eq, %gather3A_294, %add3A_267 : vector<16xi32>
        %or3A_296 = arith.ori %or3A_287, %eq3A_295 : vector<16xi1>
        %add3A_297 = arith.constant 3 : i32
        %add3A_298 = vector.broadcast %add3A_297 : i32 to vector<16xi32>
        %add3A_299 = arith.addi %and3A_276, %add3A_298 : vector<16xi32>
        %and3A_300 = arith.constant 8191 : i32
        %and3A_301 = vector.broadcast %and3A_300 : i32 to vector<16xi32>
        %and3A_302 = arith.andi %add3A_299, %and3A_301 : vector<16xi32>
        %gather3A_303 = tpu.vector_load_idx %arg15[%and3A_302] : memref<8192xi32, #tpu.memory_space<vmem>>[vector<16xi32>], vector<16xi32>,
        %eq3A_304 = arith.cmpi eq, %gather3A_303, %add3A_267 : vector<16xi32>
        %or3A_305 = arith.ori %or3A_296, %eq3A_304 : vector<16xi1>
        %get3A_306 = arith.index_cast %mul3A_259 : i32 to index
        %get3A_307 = tpu.vector_load %arg11[%get3A_306] {strides = array<i32>} : memref<4096xf32, #tpu.memory_space<vmem>>, vector<16xf32>,
        %ne3A_308 = arith.constant 0xFF800000 : f32
        %ne3A_309 = vector.broadcast %ne3A_308 : f32 to vector<16xf32>
        %ne3A_310 = arith.cmpf one, %get3A_307, %ne3A_309 : vector<16xf32>
        %and3A_311 = arith.andi %or3A_305, %ne3A_310 : vector<16xi1>
        %jit3A_312 = arith.constant 0.000000e+00 : f32
        %broadcast_in_dim3A_313 = vector.broadcast %jit3A_312 : f32 to vector<16xf32>
        %select_n3A_314 = arith.select %and3A_311, %get3A_307, %broadcast_in_dim3A_313 : vector<16xi1>, vector<16xf32>
        %add3A_315 = arith.addf %add3A_255, %select_n3A_314 : vector<16xf32>
        scf.yield %add3A_315 : vector<16xf32>
      }
      %scan3A_79 = arith.constant 256 : i32
      %swap3A = arith.constant 0 : index
      %swap3A_80 = tpu.vector_load %arg16[%swap3A] {strides = array<i32>} : memref<16xf32, #tpu.memory_space<vmem>>, vector<16xf32>,
      tpu.vector_store %arg16[%swap3A], %scan3A_78 {strides = array<i32>} : memref<16xf32, #tpu.memory_space<vmem>>, vector<16xf32>,
    } else {
    }
    %gt3A = arith.constant 4 : i32
    %gt3A_66 = arith.cmpi sgt, %scan3A_56, %gt3A : i32
    %convert_element_type3A_67 = arith.extui %gt3A_66 : i1 to i32
    %cond3A_68 = arith.constant 0 : i32
    %cond3A_69 = arith.cmpi ne, %convert_element_type3A_67, %cond3A_68 : i32
    scf.if %cond3A_69 {
      %broadcast_in_dim3A_72 = arith.constant 0.000000e+00 : f32
      %broadcast_in_dim3A_73 = vector.broadcast %broadcast_in_dim3A_72 : f32 to vector<16xf32>
      %scan3A_74 = arith.constant 0 : i32
      %scan3A_75 = arith.constant 256 : i32
      %scan3A_76 = arith.addi %scan3A_74, %scan3A_75 : i32
      %scan3A_77 = arith.constant 1 : i32
      %scan3A_78 = scf.for %scan3A_81 = %scan3A_74 to %scan3A_76 step %scan3A_77 iter_args(%scan3A_82 = %broadcast_in_dim3A_73) -> (vector<16xf32>)  : i32 {
        %mul3A_83 = arith.constant 16 : i32
        %mul3A_84 = arith.muli %scan3A_81, %mul3A_83 : i32
        %get3A = arith.index_cast %mul3A_84 : i32 to index
        %get3A_85 = tpu.vector_load %arg9[%get3A] {strides = array<i32>} : memref<4096xi32, #tpu.memory_space<vmem>>, vector<16xi32>,
        %mul3A_86 = arith.constant 16384 : i32
        %mul3A_87 = vector.broadcast %mul3A_86 : i32 to vector<16xi32>
        %mul3A_88 = arith.muli %get3A_85, %mul3A_87 : vector<16xi32>
        %get3A_89 = arith.index_cast %mul3A_84 : i32 to index
        %get3A_90 = tpu.vector_load %arg10[%get3A_89] {strides = array<i32>} : memref<4096xi32, #tpu.memory_space<vmem>>, vector<16xi32>,
        %add3A_91 = arith.addi %mul3A_88, %get3A_90 : vector<16xi32>
        %mul3A_92 = arith.constant -1640531535 : i32
        %mul3A_93 = vector.broadcast %mul3A_92 : i32 to vector<16xi32>
        %mul3A_94 = arith.muli %add3A_91, %mul3A_93 : vector<16xi32>
        %shift_right_logical3A = arith.constant 19 : i32
        %shift_right_logical3A_95 = vector.broadcast %shift_right_logical3A : i32 to vector<16xi32>
        %shift_right_logical3A_96 = arith.shrui %mul3A_94, %shift_right_logical3A_95 : vector<16xi32>
        %and3A_97 = arith.constant 8191 : i32
        %and3A_98 = vector.broadcast %and3A_97 : i32 to vector<16xi32>
        %and3A_99 = arith.andi %shift_right_logical3A_96, %and3A_98 : vector<16xi32>
        %gather3A = tpu.vector_load_idx %arg15[%and3A_99] : memref<8192xi32, #tpu.memory_space<vmem>>[vector<16xi32>], vector<16xi32>,
        %eq3A = arith.cmpi eq, %gather3A, %add3A_91 : vector<16xi32>
        %sub3A_100 = arith.constant 1 : i32
        %sub3A_101 = arith.subi %scan3A_56, %sub3A_100 : i32
        %add3A_102 = arith.constant 1 : i32
        %add3A_103 = vector.broadcast %add3A_102 : i32 to vector<16xi32>
        %add3A_104 = arith.addi %and3A_99, %add3A_103 : vector<16xi32>
        %and3A_105 = arith.constant 8191 : i32
        %and3A_106 = vector.broadcast %and3A_105 : i32 to vector<16xi32>
        %and3A_107 = arith.andi %add3A_104, %and3A_106 : vector<16xi32>
        %while3A = arith.constant 0 : i32
        %while3A_108 = arith.subi %sub3A_101, %while3A : i32
        %while3A_109 = arith.addi %while3A, %while3A_108 : i32
        %while3A_110 = arith.constant 1 : i32
        %while3A_111 = arith.divsi %while3A_108, %while3A_110 : i32
        %while3A_112 = arith.muli %while3A_111, %while3A_110 : i32
        %while3A_113 = arith.addi %while3A, %while3A_112 : i32
        %while3A_114 = arith.constant 1 : i32
        %while3A_115:2 = scf.for %while3A_128 = %while3A to %while3A_113 step %while3A_114 iter_args(%while3A_129 = %and3A_107, %while3A_130 = %eq3A) -> (vector<16xi32>, vector<16xi1>)  : i32 {
          %gather3A_131 = tpu.vector_load_idx %arg15[%while3A_129] : memref<8192xi32, #tpu.memory_space<vmem>>[vector<16xi32>], vector<16xi32>,
          %add3A_132 = arith.constant 1 : i32
          %add3A_133 = vector.broadcast %add3A_132 : i32 to vector<16xi32>
          %add3A_134 = arith.addi %while3A_129, %add3A_133 : vector<16xi32>
          %and3A_135 = arith.constant 8191 : i32
          %and3A_136 = vector.broadcast %and3A_135 : i32 to vector<16xi32>
          %and3A_137 = arith.andi %add3A_134, %and3A_136 : vector<16xi32>
          %eq3A_138 = arith.cmpi eq, %gather3A_131, %add3A_91 : vector<16xi32>
          %or3A = arith.ori %while3A_130, %eq3A_138 : vector<16xi1>
          scf.yield %and3A_137, %or3A : vector<16xi32>, vector<16xi1>
        }
        %while3A_116 = arith.constant 1 : i32
        %while3A_117:2 = scf.for %while3A_128 = %while3A_113 to %while3A_109 step %while3A_116 iter_args(%while3A_129 = %while3A_115#0, %while3A_130 = %while3A_115#1) -> (vector<16xi32>, vector<16xi1>)  : i32 {
          %gather3A_131 = tpu.vector_load_idx %arg15[%while3A_129] : memref<8192xi32, #tpu.memory_space<vmem>>[vector<16xi32>], vector<16xi32>,
          %add3A_132 = arith.constant 1 : i32
          %add3A_133 = vector.broadcast %add3A_132 : i32 to vector<16xi32>
          %add3A_134 = arith.addi %while3A_129, %add3A_133 : vector<16xi32>
          %and3A_135 = arith.constant 8191 : i32
          %and3A_136 = vector.broadcast %and3A_135 : i32 to vector<16xi32>
          %and3A_137 = arith.andi %add3A_134, %and3A_136 : vector<16xi32>
          %eq3A_138 = arith.cmpi eq, %gather3A_131, %add3A_91 : vector<16xi32>
          %or3A = arith.ori %while3A_130, %eq3A_138 : vector<16xi1>
          scf.yield %and3A_137, %or3A : vector<16xi32>, vector<16xi1>
        }
        %get3A_118 = arith.index_cast %mul3A_84 : i32 to index
        %get3A_119 = tpu.vector_load %arg11[%get3A_118] {strides = array<i32>} : memref<4096xf32, #tpu.memory_space<vmem>>, vector<16xf32>,
        %ne3A_120 = arith.constant 0xFF800000 : f32
        %ne3A_121 = vector.broadcast %ne3A_120 : f32 to vector<16xf32>
        %ne3A_122 = arith.cmpf one, %get3A_119, %ne3A_121 : vector<16xf32>
        %and3A_123 = arith.andi %while3A_117#1, %ne3A_122 : vector<16xi1>
        %jit3A_124 = arith.constant 0.000000e+00 : f32
        %broadcast_in_dim3A_125 = vector.broadcast %jit3A_124 : f32 to vector<16xf32>
        %select_n3A_126 = arith.select %and3A_123, %get3A_119, %broadcast_in_dim3A_125 : vector<16xi1>, vector<16xf32>
        %add3A_127 = arith.addf %scan3A_82, %select_n3A_126 : vector<16xf32>
        scf.yield %add3A_127 : vector<16xf32>
      }
      %scan3A_79 = arith.constant 256 : i32
      %swap3A = arith.constant 0 : index
      %swap3A_80 = tpu.vector_load %arg16[%swap3A] {strides = array<i32>} : memref<16xf32, #tpu.memory_space<vmem>>, vector<16xf32>,
      tpu.vector_store %arg16[%swap3A], %scan3A_78 {strides = array<i32>} : memref<16xf32, #tpu.memory_space<vmem>>, vector<16xf32>,
    } else {
    }
    %mul3A_70 = arith.constant 16 : i32
    %mul3A_71 = arith.muli %add3A, %mul3A_70 : i32
    "tpu.region"() ({
      %run_scoped3A = tpu.sem_alloc : memref<!tpu.dma_semaphore, #tpu.memory_space<semaphore_mem>>
      %dma_start3A_72 = tpu.memref_slice %arg8[%mul3A_71] : memref<512xf32, #tpu.memory_space<hbm>> -> memref<16xf32, #tpu.memory_space<hbm>>
      %dma_start3A_73 = tpu.memref_slice %arg8[%mul3A_71] : memref<512xf32, #tpu.memory_space<hbm>> -> memref<16xf32, #tpu.memory_space<hbm>>
      tpu.enqueue_dma source(%arg16 : memref<16xf32, #tpu.memory_space<vmem>>) target(%dma_start3A_73 : memref<16xf32, #tpu.memory_space<hbm>>) target_semaphore(%run_scoped3A : memref<!tpu.dma_semaphore, #tpu.memory_space<semaphore_mem>>)
      %dma_wait3A_74 = tpu.memref_slice %arg8[%mul3A_71] : memref<512xf32, #tpu.memory_space<hbm>> -> memref<16xf32, #tpu.memory_space<hbm>>
      %dma_wait3A_75 = tpu.memref_slice %arg8[%mul3A_71] : memref<512xf32, #tpu.memory_space<hbm>> -> memref<16xf32, #tpu.memory_space<hbm>>
      tpu.wait_dma2 semaphore(%run_scoped3A : memref<!tpu.dma_semaphore, #tpu.memory_space<semaphore_mem>>) src(%arg16 : memref<16xf32, #tpu.memory_space<vmem>>) dst(%dma_wait3A_75 : memref<16xf32, #tpu.memory_space<hbm>>)
      tpu.yield
    }) : () -> ()
    return
  }
}

module attributes {stable_mosaic.version = 14 : i64} {
  func.func @_bce_kernel(%arg0: memref<16x8192xf32, #tpu.memory_space<vmem>>, %arg1: memref<1x512xf32, #tpu.memory_space<vmem>>, %arg2: memref<1x1xf32, #tpu.memory_space<smem>>) attributes {dimension_semantics = [], scalar_prefetch = 0 : i64, scratch_operands = 0 : i64, tpu.core_type = #tpu.core_type<tc>} {
    %get3A = arith.constant 0 : index
    %get3A_0 = arith.constant 0 : index
    %get3A_1 = vector.load %arg0[%get3A, %get3A_0] : memref<16x8192xf32, #tpu.memory_space<vmem>>, vector<16x8192xf32>
    %ne3A = arith.constant 0xFF800000 : f32
    %ne3A_2 = vector.broadcast %ne3A : f32 to vector<16x8192xf32>
    %ne3A_3 = arith.cmpf one, %get3A_1, %ne3A_2 : vector<16x8192xf32>
    %max3A = arith.constant 0.000000e+00 : f32
    %max3A_4 = vector.broadcast %max3A : f32 to vector<16x8192xf32>
    %max3A_5 = arith.maximumf %get3A_1, %max3A_4 : vector<16x8192xf32>
    %abs3A = math.absf %get3A_1 : vector<16x8192xf32>
    %neg3A = arith.constant 0.000000e+00 : f32
    %neg3A_6 = vector.broadcast %neg3A : f32 to vector<16x8192xf32>
    %neg3A_7 = arith.subf %neg3A_6, %abs3A : vector<16x8192xf32>
    %exp3A = math.exp %neg3A_7 : vector<16x8192xf32>
    %log1p3A = math.log1p %exp3A : vector<16x8192xf32>
    %add3A = arith.addf %max3A_5, %log1p3A : vector<16x8192xf32>
    %jit3A = arith.constant 0.000000e+00 : f32
    %broadcast_in_dim3A = vector.broadcast %jit3A : f32 to vector<16x8192xf32>
    %select_n3A = arith.select %ne3A_3, %add3A, %broadcast_in_dim3A : vector<16x8192xi1>, vector<16x8192xf32>
    %reduce_sum3A = vector.shape_cast %select_n3A : vector<16x8192xf32> to vector<1x16x8192xf32>
    %reduce_sum3A_8 = arith.constant dense<0.000000e+00> : vector<1xf32>
    %reduce_sum3A_9 = vector.multi_reduction <add>, %reduce_sum3A, %reduce_sum3A_8 [1, 2] : vector<1x16x8192xf32> to vector<1xf32>
    %reduce_sum3A_10 = vector.shape_cast %reduce_sum3A_9 : vector<1xf32> to vector<1x1x1xf32>
    %reduce_sum3A_11 = vector.extract %reduce_sum3A_10[0, 0, 0] : f32 from vector<1x1x1xf32>
    %convert_element_type3A = arith.extui %ne3A_3 : vector<16x8192xi1> to vector<16x8192xi32>
    %convert_element_type3A_12 = arith.sitofp %convert_element_type3A : vector<16x8192xi32> to vector<16x8192xf32>
    %reduce_sum3A_13 = vector.shape_cast %convert_element_type3A_12 : vector<16x8192xf32> to vector<1x16x8192xf32>
    %reduce_sum3A_14 = arith.constant dense<0.000000e+00> : vector<1xf32>
    %reduce_sum3A_15 = vector.multi_reduction <add>, %reduce_sum3A_13, %reduce_sum3A_14 [1, 2] : vector<1x16x8192xf32> to vector<1xf32>
    %reduce_sum3A_16 = vector.shape_cast %reduce_sum3A_15 : vector<1xf32> to vector<1x1x1xf32>
    %reduce_sum3A_17 = vector.extract %reduce_sum3A_16[0, 0, 0] : f32 from vector<1x1x1xf32>
    %get3A_18 = arith.constant 0 : index
    %get3A_19 = arith.constant 0 : index
    %get3A_20 = vector.load %arg1[%get3A_18, %get3A_19] : memref<1x512xf32, #tpu.memory_space<vmem>>, vector<1x512xf32>
    %reduce_sum3A_21 = vector.shape_cast %get3A_20 : vector<1x512xf32> to vector<1x1x512xf32>
    %reduce_sum3A_22 = arith.constant dense<0.000000e+00> : vector<1xf32>
    %reduce_sum3A_23 = vector.multi_reduction <add>, %reduce_sum3A_21, %reduce_sum3A_22 [1, 2] : vector<1x1x512xf32> to vector<1xf32>
    %reduce_sum3A_24 = vector.shape_cast %reduce_sum3A_23 : vector<1xf32> to vector<1x1x1xf32>
    %reduce_sum3A_25 = vector.extract %reduce_sum3A_24[0, 0, 0] : f32 from vector<1x1x1xf32>
    %sub3A = arith.subf %reduce_sum3A_11, %reduce_sum3A_25 : f32
    %div3A = arith.divf %sub3A, %reduce_sum3A_17 : f32
    %swap3A = arith.constant 0 : index
    %swap3A_26 = arith.constant 0 : index
    %swap3A_27 = memref.load %arg2[%swap3A, %swap3A_26] : memref<1x1xf32, #tpu.memory_space<smem>>
    memref.store %div3A, %arg2[%swap3A, %swap3A_26] : memref<1x1xf32, #tpu.memory_space<smem>>
    return
  }
}

</mosaic_0001>

<sc_bundles>
// kernel: kernel.4.cloned.1.call-start
scs
__scs_entry_jumppad:
0x0: {  	(pc) =	sbr.rel $0x88, $3  }
0x1: {  	(tag) =	ssettag $0x0;
	lr =	simm.s32 $0x1  }
0x2: {  	[smem:$0x3F9D] =	sst lr;
	_ =	strace $0xD0000000  }
0x3: {  	_ = 	snop  }
0x4: {  	_ = 	snop  }
0x5: {  	_ = 	snop  }
0x6: {  	_ = 	snop  }
0x7: {  	_ = 	snop  }
__scs_overlays_trampoline_lowered:
0x8: {  	[smem:$0x3FAC] =	sst s0  }
0x9: {  	[smem:$0x3FAD] =	sst s1  }
0xa: {  	[smem:$0x3FAE] =	sst s2  }
0xb: {  	[smem:$0x3FAF] =	sst s3  }
0xc: {  	[smem:$0x3FB0] =	sst s4  }
0xd: {  	[smem:$0x3FB1] =	sst s5  }
0xe: {  	[smem:$0x3FB2] =	sst s6  }
0xf: {  	[smem:$0x3FB3] =	sst s7  }
0x10: {  	[smem:$0x3FB4] =	sst s8  }
0x11: {  	[smem:$0x3FB5] =	sst s9;
	s0 =	simm.s32 @!p0 $0x0  }
0x12: {  	s1 =	sld [smem:$0x3F9B];
	s0 =	simm.s32 @p0 $0x1  }
0x13: {  	[smem:$0x3FB6] =	sst s0;
	s0 =	simm.s32 @!p1 $0x0  }
0x14: {  	s2 =	sld [smem:$0x3F9A];
	s0 =	simm.s32 @p1 $0x1  }
0x15: {  	[smem:$0x3FB7] =	sst s0;
	s0 =	simm.s32 @!p2 $0x0  }
0x16: {  	s3 =	sld [smem:$0x3FDB];
	s0 =	simm.s32 @p2 $0x1  }
0x17: {  	s4 =	simm.s32 $0x1BF5;
	[smem:$0x3FB9] =	sst s0  }
0x18: {  	s0 =	sld [smem:$0x3F9C];
	_ =	swait.ge [sflag:s4], $0x0  }
0x19: {  	s7 =	sld [smem:$0x3F9D]  }
0x1a: {  	s8 =	sadd.s32 $0xFFFFE003, lr  }
0x1b: {  	s9 =	sadd.s32 $0xFFFFFEF7, lr;
	s5 =	simm.s32 $0xFFFFFFFF;
	p2 =	slt.u32 s8, $0xFFFFF086  }
0x1c: {  	p1 =	slt.u32 s9, $0xF7A;
	s5 =	simm.s32 @!p2 $0x0  }
0x1d: {  	s5 =	simm.s32 @p1 $0x1;
	p0 =	seq.s32 s7, s2  }
0x1e: {  	s7 =	smul.u32 @!p0 $0xF7A, s2;
	p2 =	seq.s32 @!p0 s5, $0x0  }
0x1f: {  	s9 =	smul.u32 $0xF7A, s1;
	s8 =	simm.s32 @!p0 $0x1BF5;
	p2 =	por !p2, p0  }
0x20: {  	[sflag:s8] =	ssyncset.s32 @!p0 $0xFFFFF086;
	s6 =	sadd.s32 @!p0 s3, s7;
	s7 =	simm.s32 @!p0 $0x108  }
0x21: {  	s3 =	sadd.s32 s3, s9;
	s6 =	sadd.s32 @!p0 $0x88, s6;
	s7 =	simm.s32 @p2 $0x1082  }
0x22: {  	[simem:s7], [sflag:s8] =	dma.local @!p0 [hbm:s6], $0xF7A  }
0x23: {  	s9 =	sor.u32 $0xD0000000, s2;
	s6 =	simm.s32 $0x108;
	_ =	swait.ge @!p0 [sflag:s8], $0x0  }
0x24: {  	s3 =	sadd.s32 $0x88, s3;
	s6 =	simm.s32 @!p1 $0x1082;
	[sflag:s4] =	ssyncset.s32 $0xFFFFF086  }
0x25: {  	[simem:s6], [sflag:s4] =	dma.local [hbm:s3], $0xF7A  }
0x26: {  	[smem:$0x3F9D] =	sst s1;
	(tag) =	ssettag s2;
	_ =	strace s9  }
0x27: {  	s1 =	sld [smem:$0x3FAD]  }
0x28: {  	s2 =	sld [smem:$0x3FAE]  }
0x29: {  	s4 =	sld [smem:$0x3FB0]  }
0x2a: {  	p0 =	seq.s32 s5, $0x0;
	s5 =	sld [smem:$0x3FB1]  }
0x2b: {  	s6 =	sld [smem:$0x3FB2]  }
0x2c: {  	s7 =	sld [smem:$0x3FB3]  }
0x2d: {  	s3 =	simm.s32 $0x108;
	s8 =	sld [smem:$0x3FB4]  }
0x2e: {  	s3 =	simm.s32 @!p0 $0x1082;
	s9 =	sld [smem:$0x3FB5]  }
0x2f: {  	lr =	sadd.s32 s0, s3;
	s0 =	sld [smem:$0x3FAC]  }
0x30: {  	s3 =	sld [smem:$0x3FAF]  }
0x31: {  	[smem:$0x3FB8] =	sst s10  }
0x32: {  	s10 =	sld [smem:$0x3FB6];
	_ =	sdelay $0x3  }
0x33: {  	p0 =	seq.s32 s10, $0x1;
	s10 =	sld [smem:$0x3FB8];
	_ =	sdelay $0x3  }
0x34: {  	[smem:$0x3FB8] =	sst s10  }
0x35: {  	s10 =	sld [smem:$0x3FB7];
	_ =	sdelay $0x3  }
0x36: {  	p1 =	seq.s32 s10, $0x1;
	s10 =	sld [smem:$0x3FB8];
	_ =	sdelay $0x3  }
0x37: {  	[smem:$0x3FB8] =	sst s10  }
0x38: {  	s10 =	sld [smem:$0x3FB9]  }
0x39: {  	_ = 	snop;
	(pc) =	sbr.ind lr, $3  }
0x3a: {  	_ = 	snop  }
0x3b: {  	_ = 	snop  }
0x3c: {  	p2 =	seq.s32 s10, $0x1;
	s10 =	sld [smem:$0x3FB8]  }
0x3d: {  	_ =	shalt  }
0x3e: {  	_ =	shalt  }
0x3f: {  	_ =	shalt  }
0x40: {  	_ =	shalt  }
0x41: {  	_ =	shalt  }
0x42: {  	_ =	shalt  }
0x43: {  	_ =	shalt  }
0x44: {  	_ =	shalt  }
0x45: {  	_ =	shalt  }
0x46: {  	_ =	shalt  }
0x47: {  	_ =	shalt  }
0x48: {  	_ =	shalt  }
0x49: {  	_ =	shalt  }
0x4a: {  	_ =	shalt  }
0x4b: {  	_ =	shalt  }
0x4c: {  	_ =	shalt  }
0x4d: {  	_ =	shalt  }
0x4e: {  	_ =	shalt  }
0x4f: {  	_ =	shalt  }
0x50: {  	_ =	shalt  }
0x51: {  	_ =	shalt  }
0x52: {  	_ =	shalt  }
0x53: {  	_ =	shalt  }
0x54: {  	_ =	shalt  }
0x55: {  	_ =	shalt  }
0x56: {  	_ =	shalt  }
0x57: {  	_ =	shalt  }
0x58: {  	_ =	shalt  }
0x59: {  	_ =	shalt  }
0x5a: {  	_ =	shalt  }
0x5b: {  	_ =	shalt  }
0x5c: {  	_ =	shalt  }
0x5d: {  	_ =	shalt  }
0x5e: {  	_ =	shalt  }
0x5f: {  	_ =	shalt  }
0x60: {  	_ =	shalt  }
0x61: {  	_ =	shalt  }
0x62: {  	_ =	shalt  }
0x63: {  	_ =	shalt  }
0x64: {  	_ =	shalt  }
0x65: {  	_ =	shalt  }
0x66: {  	_ =	shalt  }
0x67: {  	_ =	shalt  }
0x68: {  	_ =	shalt  }
0x69: {  	_ =	shalt  }
0x6a: {  	_ =	shalt  }
0x6b: {  	_ =	shalt  }
0x6c: {  	_ =	shalt  }
0x6d: {  	_ =	shalt  }
0x6e: {  	_ =	shalt  }
0x6f: {  	_ =	shalt  }
0x70: {  	_ =	shalt  }
0x71: {  	_ =	shalt  }
0x72: {  	_ =	shalt  }
0x73: {  	_ =	shalt  }
0x74: {  	_ =	shalt  }
0x75: {  	_ =	shalt  }
0x76: {  	_ =	shalt  }
0x77: {  	_ =	shalt  }
0x78: {  	_ =	shalt  }
0x79: {  	_ =	shalt  }
0x7a: {  	_ =	shalt  }
0x7b: {  	_ =	shalt  }
0x7c: {  	_ =	shalt  }
0x7d: {  	_ =	shalt  }
0x7e: {  	_ =	shalt  }
0x7f: {  	_ =	shalt  }
0x80: {  	_ =	shalt  }
0x81: {  	_ =	shalt  }
0x82: {  	_ =	shalt  }
0x83: {  	_ =	shalt  }
0x84: {  	_ =	shalt  }
0x85: {  	_ =	shalt  }
0x86: {  	_ =	shalt  }
0x87: {  	_ =	shalt  }
.Lfunc_end0:
.L_simem_size_0:
called_computation_lowered:
.L_overlay_start_0:
0x88: {  	s2 =	sld [smem:$0x3FD9]  }
0x89: {  	s3 =	sld [smem:$0x3FFE];
	_ =	sdelay $0x1  }
0x8a: {  	s1 =	srdreg.scid  }
0x8b: {  	s0 =	sand.u32 $0x1, s1  }
0x8c: {  	s16 =	sshll.u32 s0, $0xA;
	s2 =	sadd.s32 s3, s2  }
0x8d: {  	s2 =	sadd.s32 s2, s16  }
0x8e: {  	[smem:$0x3FC4] =	sst s2  }
0x8f: {  	_ = 	snop  }
0x90: {  	(tm) =	ssettm $0x1  }
0x91: {  	s17 =	sld [smem:$0x3FFB];
	_ =	sdelay $0x3  }
0x92: {  	_ =	strace s17  }
0x93: {  	s2 =	sld [smem:$0x3FFC];
	_ =	sdelay $0x3  }
0x94: {  	_ =	strace s2  }
0x95: {  	s2 =	sld [smem:$0x3FFD];
	_ =	sdelay $0x3  }
0x96: {  	_ =	strace s2  }
0x97: {  	_ =	strace $0x8FFFFFFF  }
0x98: {  	s18 =	sld [smem:$0x3FDB];
	_ =	sdelay $0x1  }
0x99: {  	s19 =	simm.s32 $_scs_section_size  }
0x9a: {  	s4 =	simm.s32 $_size__tile_overlayer_lowered;
	s5 =	simm.s32 $_tile_overlayer_lowered  }
0x9b: {  	s22 =	simm.s32 $0x1BFF;
	s21 =	sshll.u32 s5, $0x1;
	s2 =	sadd.s32 s19, s18  }
0x9c: {  	s6 =	simm.s32 $0x0;
	s20 =	sshll.u32 s4, $0x1;
	s4 =	sadd.s32 s21, s2  }
0x9d: {  	[timem:s6], [sflag:s22] =	dma.local [hbm:s4], s20  }
0x9e: {  	_ =	swait.ge [sflag:s22], s20  }
0x9f: {  	s3 =	ssub.s32 $0x0, s20;
	[sflag:s22] =	ssyncset.done $0x0  }
0xa0: {  	[sflag:s22] =	ssyncadd.s32 s3;
	_ =	sdelay $0x1  }
0xa1: {  	s23 =	simm.s32 $0x1B8B  }
0xa2: {  	_ =	swait.ge [sflag:s23], $0x1  }
0xa3: {  	[sflag:s23] =	ssyncset.done $0x0  }
0xa4: {  	s25 =	simm.s32 $0x1B8E;
	s24 =	sld [smem:$0x3FFE];
	[sflag:s23] =	ssyncadd.s32 $0xFFFFFFFF  }
0xa5: {  	s26 =	simm.s32 $execute0_lowered;
	[smem:$0x3FD2] =	sst s25  }
0xa6: {  	s4 =	sshll.u32 s26, $0x1;
	_ =	strace $0x80000046;
	[dreg:$0x1] =	wrdreg $0xFFFFFFFF  }
0xa7: {  	s28 =	simm.s32 $_size_execute0_lowered;
	s2 =	sadd.s32 s2, s4;
	[dreg:$0x0] =	wrdreg $0x0  }
0xa8: {  	s4 =	sshll.u32 s28, $0x1;
	[dreg:$0x2] =	wrdreg s2  }
0xa9: {  	[dreg:$0x3] =	wrdreg s4  }
0xaa: {  	[dreg:$0x4] =	wrdreg $0xC0  }
0xab: {  	_ =	task [dreg:s6], $0x5FFFF  }
0xac: {  	[dreg:$0x1] =	wrdreg $0xFFFFFFFF  }
0xad: {  	[dreg:$0x0] =	wrdreg $0x60  }
0xae: {  	[dreg:$0x2] =	wrdreg s24  }
0xaf: {  	[dreg:$0x3] =	wrdreg $0x9  }
0xb0: {  	_ =	task.clear_ibuf [dreg:s6], $0x4FFFF;
	_ =	strace $0x90000046  }
0xb1: {  	s29 =	simm.s32 $0x9;
	_ =	strace $0x80000048  }
0xb2: {  	_ =	swait.ge [sflag:s29], $0x1  }
0xb3: {  	[sflag:s29] =	ssyncadd.s32 $0xFFFFFFFF  }
0xb4: {  	_ =	strace $0x90000048  }
0xb5: {  	_ =	sfence  }
0xb6: {  	s30 =	sld [smem:$0x0];
	_ =	sdelay $0x2  }
0xb7: {  	s31 =	sshll.u32 s1, $0xD;
	s1 =	sshrl.u32 s1, $0x2  }
0xb8: {  	s3 =	sand.u32 $0x4000, s31;
	s1 =	sadd.s32 s1, s30  }
0xb9: {  	s0 =	sor.u32 s3, s0;
	s1 =	sshll.u32 s1, $0x11  }
0xba: {  	s0 =	sor.u32 s1, s0  }
0xbb: {  	s0 =	sadd.s32 $0x8F2B, s0  }
0xbc: {  	[sflag:s0] =	ssyncadd.remote.s32 $0x1  }
0xbd: {  	_ =	sfence.sel $0xFFFF  }
0xbe: {  	[dreg:$0x0] =	wrdreg $0xFFFFFFFF;
	(pc) =	sbr.abs _section_cstart, $3  }
0xbf: {  	[dreg:$0x1] =	wrdreg $0xFFFFFFFF  }
0xc0: {  	_ =	task.clear_ibuf [dreg:s6], $0x2FFFF;
	_ =	strace $0x9FFFFFFF  }
0xc1: {  	(tm) =	ssettm $0x7FFFFFFF  }
tec
execute0_lowered:
.L_overlay_start_1:
0x0: {  	(tag) =	ssettag $0x1  }
0x1: {  	s1 =	srdreg.scid  }
0x2: {  	s0 =	stileid.u32;
	s6 =	rddreg [dreg:$0x0];
	s2 =	simm.s32 $0x0  }
0x3: {  	s12 =	simm.s32 $0x3000;
	s13 =	simm.s32 $0x3100;
	s14 =	simm.s32 $0x3200  }
0x4: {  	s15 =	simm.s32 $0x1000;
	s4 =	sand.u32 $0x1, s1;
	s30 =	sshll.u32 s0, $0x1  }
0x5: {  	s16 =	simm.s32 $0x2000;
	s17 =	simm.s32 $0x3300;
	s5 =	sor.u32 s4, s30  }
0x6: {  	s18 =	simm.s32 $0x5300;
	p1 =	seq.s32 s4, $0x1;
	p0 =	seq.s32 s5, $0x0  }
0x7: {  	s19 =	simm.s32 $0x2;
	s20 =	simm.s32 $0x0;
	p0 =	por !p0, !p1  }
0x8: {  	s1 =	simm.s32 $0x1;
	[smem:$0x7FF] =	sst s2;
	p0 =	por !p0, !p0  }
0x9: {  	s4 =	ssub.s32 $0x2, s4;
	s8 =	sshll.u32 s5, $0x9;
	s1 =	simm.s32 @!p0 $0x0  }
0xa: {  	s5 =	sshll.u32 s5, $0x1;
	s31 =	sshrl.u32 s4, $0x1;
	s1 =	ssub.s32 s0, s1  }
0xb: {  	s9 =	sadd.s32 s8, s6;
	s10 =	sadd.s32 s5, s6;
	s3 =	smul.u32 $0xD0, s1  }
.Ltmp0:
0xc: {  	s11 =	ssub.s32 s4, s31;
	s8 =	sadd.s32 $0x5800, s9;
	(pc) =	sbr.rel .LBB2_1-.Ltmp0, $4  }
0xd: {  	s10 =	sadd.s32 $0xD800, s10;
	s11 =	smax.u32 s11, $0x1;
	s7 =	sshrl.u32 s3, $0x3  }
0xe: {  	s1 =	rddreg [dreg:$0x1];
	_ =	strace $0x80000047;
	s7 =	sadd.s32 s7, s6  }
0xf: {  	s3 =	simm.s32 $0x1;
	s4 =	sadd.s32 $0x1400, s7;
	s5 =	sadd.s32 $0x1600, s7  }
0x10: {  	v0 =	vimm.s32 $0xFFFFFFFF;
	v1 =	vimm.f32 $0.0e+00;
	s6 =	sadd.s32 $0x1200, s7;
	s7 =	sadd.s32 $0x9800, s9;
	s9 =	sadd.s32 $0x1800, s9  }
.LBB2_19:
0x11: {  	s20 =	sadd.s32 $0x1, s20  }
0x12: {  	p0 =	sne.s32 s20, s11  }
.Ltmp1:
0x13: {  	[tilespmem:$0x5300] =	vst v2;
	(pc) =	sbr.rel @!p0 .LBB2_20-.Ltmp1, $4  }
0x14: {  	[hbm4b:s10+s2] =	stream.linear.scatter [tilespmem:s18], [sflag:$0x2], $0x10, $0x38;
	[tilespmem:$0x5380] =	vst v63  }
0x15: {  	_ =	swait.ge [sflag:s19], $0x10  }
0x16: {  	[sflag:s19] =	ssyncset.done $0x0  }
0x17: {  	[sflag:s19] =	ssyncadd.s32 $0xFFFFFFF0  }
.LBB2_1:
0x18: {  	[tilespmem:s12], [sflag:$0x1] =	stream.linear.gather [hbm4b:s4+s2], $0xD0, $0x38;
	[tilespmem:$0x5380] =	vst v63  }
0x19: {  	_ = 	snop  }
0x1a: {  	[tilespmem:s13], [sflag:$0x1] =	stream.linear.gather [hbm4b:s5+s2], $0xD0, $0x38;
	[tilespmem:$0x5380] =	vst v63  }
0x1b: {  	_ = 	snop  }
0x1c: {  	[tilespmem:s14], [sflag:$0x1] =	stream.linear.gather [hbm4b:s6+s2], $0xD0, $0x38;
	[tilespmem:$0x5380] =	vst v63  }
0x1d: {  	_ = 	snop  }
0x1e: {  	[tilespmem:s2], [sflag:$0x1] =	stream.linear.gather [hbm4b:s7+s2], $0x1000, $0x38;
	[tilespmem:$0x5380] =	vst v63  }
0x1f: {  	_ = 	snop  }
0x20: {  	[tilespmem:s15], [sflag:$0x1] =	stream.linear.gather [hbm4b:s8+s2], $0x1000, $0x38;
	[tilespmem:$0x5380] =	vst v63  }
0x21: {  	s21 =	simm.s32 $0x3340  }
0x22: {  	[tilespmem:s16], [sflag:$0x1] =	stream.linear.gather [hbm4b:s9+s2], $0x1000, $0x38;
	[tilespmem:$0x5380] =	vst v63  }
0x23: {  	[tilespmem:s21+$0xFFFFFFC0] =	vst v0  }
0x24: {  	[tilespmem:s21+$0x30] =	vst v0  }
0x25: {  	[tilespmem:s21+$0x20] =	vst v0  }
0x26: {  	[tilespmem:s21+$0x10] =	vst v0  }
0x27: {  	[tilespmem:s21+$0x0] =	vst v0  }
0x28: {  	[tilespmem:s21+$0xFFFFFFF0] =	vst v0  }
0x29: {  	s22 =	simm.s32 $0x0;
	[tilespmem:s21+$0xFFFFFFE0] =	vst v0  }
.LBB2_2:
0x2a: {  	s22 =	sadd.s32 $0x8, s22;
	[tilespmem:s21+$0xFFFFFFD0] =	vst v0;
	s21 =	sadd.s32 $0x80, s21  }
0x2b: {  	[tilespmem:s21+$0xFFFFFFC0] =	vst v0;
	p0 =	slt.u32 s22, $0x1F8  }
0x2c: {  	[tilespmem:s21+$0x30] =	vst v0  }
.Ltmp2:
0x2d: {  	[tilespmem:s21+$0x20] =	vst v0;
	(pc) =	sbr.rel @p0 .LBB2_2-.Ltmp2, $4  }
0x2e: {  	[tilespmem:s21+$0x10] =	vst v0  }
0x2f: {  	[tilespmem:s21+$0x0] =	vst v0  }
0x30: {  	[tilespmem:s21+$0xFFFFFFF0] =	vst v0  }
0x31: {  	[tilespmem:s21+$0xFFFFFFE0] =	vst v0  }
0x32: {  	[tilespmem:s21+$0xFFFFFFD0] =	vst v0  }
0x33: {  	_ =	swait.ge [sflag:s3], $0xD0  }
0x34: {  	[sflag:s3] =	ssyncset.done $0x0  }
0x35: {  	[sflag:s3] =	ssyncadd.s32 $0xFFFFFF30  }
0x36: {  	_ =	swait.ge [sflag:s3], $0xD0  }
.Ltmp3:
0x37: {  	[sflag:s3] =	ssyncset.done $0x0;
	(pc) =	sbr.rel .LBB2_4-.Ltmp3, $4  }
0x38: {  	[sflag:s3] =	ssyncadd.s32 $0xFFFFFF30  }
0x39: {  	_ =	swait.ge [sflag:s3], $0xD0  }
0x3a: {  	[sflag:s3] =	ssyncset.done $0x0  }
0x3b: {  	s24 =	simm.s32 $0x0;
	s22 =	simm.s32 $0x0;
	[sflag:s3] =	ssyncadd.s32 $0xFFFFFF30  }
.LBB2_7:
0x3c: {  	s22 =	sadd.s32 $0x1, s22  }
0x3d: {  	p1 =	sne.s32 s22, $0xD  }
.Ltmp4:
0x3e: {  	_ = 	snop;
	(pc) =	sbr.rel @!p1 .LBB2_8-.Ltmp4, $3  }
0x3f: {  	_ =	sdelay $0x1  }
0x40: {  	p0 =	sgt.s32 s21, s23;
	s24 =	smov.u32 s23  }
0x41: {  	s24 =	smov.u32 @p0 s21  }
.LBB2_4:
0x42: {  	s23 =	sshll.u32 s22, $0x4  }
0x43: {  	v2 =	vld [tilespmem:s23+$0x3200];
	_ =	sdelay $0x4  }
0x44: {  	vm0 =	vne.s32 v2, $0x0  }
0x45: {  	v2 =	vsel vm0, $0x3F800000, v1  }
0x46: {  	(xrf0) =	vmax.scan.msk.f32 $0xffff, v2;
	_ =	sdelay $0x5  }
0x47: {  	v2, _, _ =	vpop (xrf0)  }
0x48: {  	(v2sf) =	vpush v2, $0xF;
	_ =	sdelay $0xe  }
0x49: {  	s21 =	spop (v2sf)  }
0x4a: {  	p0 =	sgt.f32 s21, $0.0e+00  }
.Ltmp5:
0x4b: {  	_ = 	snop;
	(pc) =	sbr.rel @!p0 .LBB2_7-.Ltmp5, $3  }
0x4c: {  	_ =	sdelay $0x1  }
0x4d: {  	v3 =	vld [tilespmem:s23+$0x3100]  }
0x4e: {  	v2 =	vld [tilespmem:s23+$0x3000];
	s23 =	simm.s32 $0x0;
	s21 =	smov.u32 s24  }
0x4f: {  	_ =	sdelay $0x3  }
0x50: {  	v2 =	vshll.u32 v2, $0xE  }
0x51: {  	v2 =	vadd.s32 v2, v3  }
0x52: {  	v2 =	vadd.s32 $0xFFFFFFFF, v2  }
0x53: {  	v3 =	vmul.u32 $0x9E3779B1, v2;
	_ =	sdelay $0x1  }
0x54: {  	v3 =	vshrl.u32 v3, $0x13;
	_ =	sdelay $0x3  }
0x55: {  	s23 =	simm.s32 $0x0  }
.LBB2_6:
0x56: {  	v4 =	vld.idx.msk [tilespmem:v3+s17+$0x0], $0xffff;
	_ =	sdelay $0x4  }
0x57: {  	vm1 =	veq.s32 v4, $0xFFFFFFFF  }
0x58: {  	vm1 =	vmand vm0, vm1;
	_ =	sdelay $0x5  }
0x59: {  	[tilespmem:v3+s17+$0x0] =	vst.idx.msk vm1, v2  }
0x5a: {  	v4 =	vld.idx.msk [tilespmem:v3+s17+$0x0], $0xffff;
	_ =	sdelay $0x4  }
0x5b: {  	vm1 =	vne.s32 v4, v2  }
0x5c: {  	vm0 =	vmand vm0, vm1  }
0x5d: {  	v4 =	vsel vm0, $0x3F800000, v1  }
0x5e: {  	(xrf0) =	vmax.scan.msk.f32 $0xffff, v4;
	_ =	sdelay $0x5  }
0x5f: {  	v4, _, _ =	vpop (xrf0)  }
0x60: {  	(v2sf) =	vpush v4, $0xF;
	_ =	sdelay $0xe  }
0x61: {  	s24 =	spop (v2sf)  }
0x62: {  	p0 =	sgt.f32 s24, $0.0e+00  }
.Ltmp6:
0x63: {  	_ = 	snop;
	(pc) =	sbr.rel @p0 .LBB2_6-.Ltmp6, $3  }
0x64: {  	_ =	sdelay $0x1  }
0x65: {  	v3 =	vadd.s32 $0x1, v3  }
0x66: {  	s23 =	sadd.s32 $0x1, s23;
	v3 =	vand.u32 $0x1FFF, v3  }
.Ltmp7:
0x67: {  	_ = 	snop;
	(pc) =	sbr.rel .LBB2_7-.Ltmp7, $1  }
0x68: {  	_ =	sdelay $0x3  }
.LBB2_8:
0x69: {  	_ =	swait.ge [sflag:s3], $0x1000  }
0x6a: {  	[sflag:s3] =	ssyncset.done $0x0  }
0x6b: {  	[sflag:s3] =	ssyncadd.s32 $0xFFFFF000  }
0x6c: {  	p1 =	sgt.s32 s24, $0x4;
	_ =	swait.ge [sflag:s3], $0x1000  }
.Ltmp8:
0x6d: {  	[sflag:s3] =	ssyncset.done $0x0;
	(pc) =	sbr.rel @p1 .LBB2_12-.Ltmp8, $4  }
0x6e: {  	[sflag:s3] =	ssyncadd.s32 $0xFFFFF000  }
0x6f: {  	_ =	swait.ge [sflag:s3], $0x1000  }
0x70: {  	[sflag:s3] =	ssyncset.done $0x0  }
0x71: {  	[sflag:s3] =	ssyncadd.s32 $0xFFFFF000  }
0x72: {  	s22 =	simm.s32 $0x20  }
0x73: {  	s23 =	simm.s32 $0x1020;
	v2 =	vld [tilespmem:s22+$0xFFFFFFE0]  }
0x74: {  	v3 =	vld [tilespmem:s23+$0xFFFFFFE0];
	_ =	sdelay $0x1  }
0x75: {  	v4 =	vld [tilespmem:s22+$0xFFFFFFF0]  }
0x76: {  	v5 =	vld [tilespmem:s23+$0xFFFFFFF0]  }
0x77: {  	v2 =	vshll.u32 v2, $0xE  }
0x78: {  	v6 =	vadd.s32 v3, v2  }
0x79: {  	s21 =	simm.s32 $0x2020;
	v7 =	vld [tilespmem:s22+$0x0];
	v3 =	vmul.u32 $0x9E3779B1, v6  }
0x7a: {  	v17 =	vld [tilespmem:s21+$0xFFFFFFF0];
	v4 =	vshll.u32 v4, $0xE  }
0x7b: {  	v8 =	vadd.s32 v5, v4;
	v5 =	vld [tilespmem:s23+$0x0];
	v4 =	vshrl.u32 v3, $0x13  }
0x7c: {  	v11 =	vimm.f32 $0.0e+00;
	v10 =	vld [tilespmem:s22+$0x10];
	v9 =	vadd.s32 $0x3, v4  }
0x7d: {  	v13 =	vld [tilespmem:s23+$0x10];
	v3 =	vmul.u32 $0x9E3779B1, v8;
	v12 =	vadd.s32 $0x1, v4;
	v9 =	vand.u32 $0x1FFF, v9  }
0x7e: {  	v7 =	vshll.u32 v7, $0xE;
	v2 =	vld [tilespmem:s21+$0x10];
	v14 =	vadd.s32 $0x2, v4;
	v12 =	vand.u32 $0x1FFF, v12  }
0x7f: {  	vm5 =	vgt.f32 v17, $-Inf;
	v15 =	vshrl.u32 v3, $0x13;
	v3 =	vld [tilespmem:s21+$0x0];
	v14 =	vand.u32 $0x1FFF, v14  }
0x80: {  	v16 =	vadd.s32 $0x3, v15;
	v20 =	vadd.s32 $0x2, v15;
	v18 =	vld.idx.msk [tilespmem:v4+s17+$0x0], $0xffff;
	v4 =	vadd.s32 v5, v7  }
0x81: {  	v20 =	vand.u32 $0x1FFF, v20;
	v7 =	vld [tilespmem:s21+$0xFFFFFFE0];
	v5 =	vshll.u32 v10, $0xE;
	v21 =	vmul.u32 $0x9E3779B1, v4  }
0x82: {  	v19 =	vadd.s32 $0x1, v15;
	v16 =	vand.u32 $0x1FFF, v16;
	v5 =	vadd.s32 v13, v5;
	v9 =	vld.idx.msk [tilespmem:v9+s17+$0x0], $0xffff  }
0x83: {  	v10 =	vand.u32 $0x1FFF, v19;
	v12 =	vld.idx.msk [tilespmem:v12+s17+$0x0], $0xffff;
	v59 =	vmul.u32 $0x9E3779B1, v5;
	v13 =	vshrl.u32 v21, $0x13  }
0x84: {  	vm0 =	vlt.f32 v3, $-Inf;
	v14 =	vld.idx.msk [tilespmem:v14+s17+$0x0], $0xffff;
	v21 =	vadd.s32 $0x1, v13;
	v22 =	vadd.s32 $0x2, v13  }
0x85: {  	v15 =	vld.idx.msk [tilespmem:v15+s17+$0x0], $0xffff;
	v23 =	vadd.s32 $0x3, v13;
	v19 =	vshrl.u32 v59, $0x13;
	v21 =	vand.u32 $0x1FFF, v21  }
0x86: {  	v60 =	vld.idx.msk [tilespmem:v20+s17+$0x0], $0xffff;
	v22 =	vand.u32 $0x1FFF, v22;
	vm1 =	veq.s32 v18, v6;
	v61 =	vadd.s32 $0x1, v19  }
0x87: {  	v16 =	vld.idx.msk [tilespmem:v16+s17+$0x0], $0xffff;
	v24 =	vadd.s32 $0x2, v19;
	v23 =	vand.u32 $0x1FFF, v23;
	vm2 =	vlt.f32 v7, $-Inf  }
0x88: {  	s22 =	simm.s32 $0x60;
	vm3 =	vgt.f32 v7, $-Inf;
	v10 =	vld.idx.msk [tilespmem:v10+s17+$0x0], $0xffff;
	v25 =	vadd.s32 $0x3, v19;
	v20 =	vand.u32 $0x1FFF, v61  }
0x89: {  	v24 =	vand.u32 $0x1FFF, v24;
	vm4 =	veq.s32 v12, v6;
	vm7 =	veq.s32 v9, v6;
	v9 =	vld [tilespmem:s22+$0xFFFFFFE0]  }
0x8a: {  	vm2 =	vmor vm3, vm2;
	vm3 =	veq.s32 v14, v6;
	v12 =	vld.idx.msk [tilespmem:v13+s17+$0x0], $0xffff;
	vm1 =	vmor vm1, vm4  }
0x8b: {  	v13 =	vand.u32 $0x1FFF, v25;
	vm4 =	vlt.f32 v17, $-Inf;
	vm1 =	vmor vm1, vm3;
	v62 =	vld.idx.msk [tilespmem:v19+s17+$0x0], $0xffff  }
0x8c: {  	vm3 =	veq.s32 v15, v8;
	vm5 =	vmor vm5, vm4;
	vm4 =	vgt.f32 v3, $-Inf;
	v14 =	vld.idx.msk [tilespmem:v22+s17+$0x0], $0xffff  }
0x8d: {  	v15 =	vld.idx.msk [tilespmem:v21+s17+$0x0], $0xffff;
	vm0 =	vmor vm4, vm0;
	vm4 =	vmor vm1, vm7;
	vm7 =	veq.s32 v10, v8  }
0x8e: {  	vm6 =	veq.s32 v60, v8;
	v63 =	vld.idx.msk [tilespmem:v24+s17+$0x0], $0xffff;
	vm2 =	vmand vm4, vm2;
	vm3 =	vmor vm3, vm7  }
0x8f: {  	vm8 =	veq.s32 v16, v8;
	v8 =	vld.idx.msk [tilespmem:v23+s17+$0x0], $0xffff;
	v10 =	vnsel vm2, $0x0, v7;
	vm2 =	vmor vm3, vm6  }
0x90: {  	vm1 =	vlt.f32 v2, $-Inf;
	vm4 =	vgt.f32 v2, $-Inf;
	v6 =	vld.idx.msk [tilespmem:v13+s17+$0x0], $0xffff;
	vm2 =	vmor vm2, vm8  }
0x91: {  	s23 =	simm.s32 $0x1060;
	v7 =	vld.idx.msk [tilespmem:v20+s17+$0x0], $0xffff;
	vm7 =	veq.s32 v12, v4;
	v12 =	vadd.f32 v10, v11;
	vm6 =	vmand vm2, vm5  }
0x92: {  	v10 =	vld [tilespmem:s23+$0xFFFFFFE0];
	vm2 =	veq.s32 v62, v5;
	vm3 =	veq.s32 v15, v4;
	vm5 =	veq.s32 v14, v4  }
0x93: {  	s24 =	simm.s32 $0x4;
	v11 =	vld [tilespmem:s22+$0xFFFFFFF0];
	v13 =	vnsel vm6, $0x0, v17;
	vm6 =	vmor vm7, vm3;
	vm3 =	veq.s32 v63, v5  }
.LBB2_10:
0x94: {  	s24 =	sadd.s32 $0x4, s24;
	v14 =	vld [tilespmem:s23+$0xFFFFFFF0];
	vm5 =	vmor vm6, vm5;
	vm1 =	vmor vm4, vm1;
	s21 =	sadd.s32 $0x40, s21  }
0x95: {  	v12 =	vadd.f32 v13, v12;
	vm4 =	veq.s32 v8, v4;
	vm6 =	veq.s32 v6, v5;
	p0 =	slt.u32 s24, $0xFC  }
0x96: {  	vm4 =	vmor vm5, vm4;
	vm5 =	veq.s32 v7, v5;
	v4 =	vshll.u32 v9, $0xE  }
0x97: {  	vm0 =	vmand vm4, vm0;
	vm2 =	vmor vm2, vm5;
	v6 =	vadd.s32 v10, v4  }
0x98: {  	vm2 =	vmor vm2, vm3;
	v4 =	vmul.u32 $0x9E3779B1, v6;
	v5 =	vshll.u32 v11, $0xE;
	v7 =	vld [tilespmem:s22+$0x0]  }
0x99: {  	v3 =	vnsel vm0, $0x0, v3;
	vm0 =	vmor vm2, vm6;
	v8 =	vadd.s32 v14, v5;
	v5 =	vld [tilespmem:s21+$0x10]  }
0x9a: {  	vm0 =	vmand vm0, vm1;
	v4 =	vshrl.u32 v4, $0x13;
	v9 =	vmul.u32 $0x9E3779B1, v8;
	v10 =	vld [tilespmem:s23+$0x0]  }
0x9b: {  	v12 =	vadd.f32 v3, v12;
	v11 =	vadd.s32 $0x1, v4;
	v13 =	vadd.s32 $0x3, v4;
	v14 =	vld [tilespmem:s22+$0x10]  }
0x9c: {  	v19 =	vnsel vm0, $0x0, v2;
	v11 =	vand.u32 $0x1FFF, v11;
	v13 =	vand.u32 $0x1FFF, v13;
	v15 =	vld [tilespmem:s23+$0x10]  }
0x9d: {  	v16 =	vadd.s32 $0x2, v4;
	v12 =	vadd.f32 v19, v12;
	v9 =	vshrl.u32 v9, $0x13;
	v3 =	vld [tilespmem:s21+$0x0]  }
0x9e: {  	v16 =	vand.u32 $0x1FFF, v16;
	v17 =	vadd.s32 $0x3, v9;
	v7 =	vshll.u32 v7, $0xE;
	v18 =	vld [tilespmem:s21+$0xFFFFFFF0];
	v2 =	vmovc v5  }
0x9f: {  	v20 =	vadd.s32 $0x2, v9;
	v5 =	vadd.s32 $0x1, v9;
	v19 =	vld.idx.msk [tilespmem:v4+s17+$0x0], $0xffff;
	v4 =	vadd.s32 v10, v7  }
0xa0: {  	v10 =	vand.u32 $0x1FFF, v20;
	v7 =	vld [tilespmem:s21+$0xFFFFFFE0];
	v20 =	vmul.u32 $0x9E3779B1, v4;
	v14 =	vshll.u32 v14, $0xE  }
0xa1: {  	v17 =	vand.u32 $0x1FFF, v17;
	v21 =	vand.u32 $0x1FFF, v5;
	v13 =	vld.idx.msk [tilespmem:v13+s17+$0x0], $0xffff;
	v5 =	vadd.s32 v15, v14  }
0xa2: {  	v11 =	vld.idx.msk [tilespmem:v11+s17+$0x0], $0xffff;
	v14 =	vshrl.u32 v20, $0x13;
	vm0 =	vlt.f32 v3, $-Inf;
	v15 =	vmul.u32 $0x9E3779B1, v5  }
0xa3: {  	v16 =	vld.idx.msk [tilespmem:v16+s17+$0x0], $0xffff;
	v20 =	vadd.s32 $0x1, v14;
	v22 =	vadd.s32 $0x2, v14;
	v23 =	vadd.s32 $0x3, v14  }
0xa4: {  	v9 =	vld.idx.msk [tilespmem:v9+s17+$0x0], $0xffff;
	v20 =	vand.u32 $0x1FFF, v20;
	v22 =	vand.u32 $0x1FFF, v22;
	v15 =	vshrl.u32 v15, $0x13  }
0xa5: {  	vm1 =	veq.s32 v19, v6;
	v10 =	vld.idx.msk [tilespmem:v10+s17+$0x0], $0xffff;
	v19 =	vadd.s32 $0x1, v15;
	v24 =	vadd.s32 $0x2, v15  }
0xa6: {  	v23 =	vand.u32 $0x1FFF, v23;
	v17 =	vld.idx.msk [tilespmem:v17+s17+$0x0], $0xffff;
	v19 =	vand.u32 $0x1FFF, v19;
	v24 =	vand.u32 $0x1FFF, v24  }
0xa7: {  	vm2 =	vlt.f32 v7, $-Inf;
	vm3 =	vgt.f32 v7, $-Inf;
	v25 =	vadd.s32 $0x3, v15;
	v21 =	vld.idx.msk [tilespmem:v21+s17+$0x0], $0xffff  }
0xa8: {  	vm2 =	vmor vm3, vm2;
	vm4 =	veq.s32 v11, v6;
	v11 =	vld.idx.msk [tilespmem:v14+s17+$0x0], $0xffff;
	v14 =	vand.u32 $0x1FFF, v25  }
0xa9: {  	vm1 =	vmor vm1, vm4;
	vm3 =	veq.s32 v16, v6;
	vm4 =	vlt.f32 v18, $-Inf;
	v16 =	vld.idx.msk [tilespmem:v22+s17+$0x0], $0xffff  }
0xaa: {  	vm5 =	vgt.f32 v18, $-Inf;
	vm1 =	vmor vm1, vm3;
	vm3 =	veq.s32 v9, v8;
	v20 =	vld.idx.msk [tilespmem:v20+s17+$0x0], $0xffff  }
0xab: {  	vm5 =	vmor vm5, vm4;
	vm4 =	vgt.f32 v3, $-Inf;
	vm6 =	veq.s32 v10, v8;
	v15 =	vld.idx.msk [tilespmem:v15+s17+$0x0], $0xffff  }
0xac: {  	vm7 =	veq.s32 v13, v6;
	vm0 =	vmor vm4, vm0;
	vm8 =	veq.s32 v17, v8;
	v17 =	vld.idx.msk [tilespmem:v24+s17+$0x0], $0xffff  }
0xad: {  	vm4 =	vmor vm1, vm7;
	vm1 =	vlt.f32 v2, $-Inf;
	vm7 =	veq.s32 v21, v8;
	v6 =	vld.idx.msk [tilespmem:v14+s17+$0x0], $0xffff  }
.Ltmp9:
0xae: {  	vm2 =	vmand vm4, vm2;
	vm3 =	vmor vm3, vm7;
	vm7 =	veq.s32 v11, v4;
	v8 =	vld.idx.msk [tilespmem:v23+s17+$0x0], $0xffff;
	(pc) =	sbr.rel @p0 .LBB2_10-.Ltmp9, $4  }
0xaf: {  	s22 =	sadd.s32 $0x40, s22;
	vm4 =	vgt.f32 v2, $-Inf;
	v10 =	vnsel vm2, $0x0, v7;
	vm2 =	vmor vm3, vm6;
	v7 =	vld.idx.msk [tilespmem:v19+s17+$0x0], $0xffff  }
0xb0: {  	s23 =	sadd.s32 $0x40, s23;
	v12 =	vadd.f32 v10, v12;
	vm2 =	vmor vm2, vm8;
	vm3 =	veq.s32 v20, v4;
	v9 =	vld [tilespmem:s22+$0xFFFFFFE0]  }
0xb1: {  	vm6 =	vmand vm2, vm5;
	vm5 =	veq.s32 v16, v4;
	vm2 =	veq.s32 v15, v5;
	v10 =	vld [tilespmem:s23+$0xFFFFFFE0]  }
0xb2: {  	v13 =	vnsel vm6, $0x0, v18;
	vm6 =	vmor vm7, vm3;
	vm3 =	veq.s32 v17, v5;
	v11 =	vld [tilespmem:s22+$0xFFFFFFF0]  }
0xb3: {  	v14 =	vld [tilespmem:s23+$0xFFFFFFF0];
	vm5 =	vmor vm6, vm5  }
0xb4: {  	vm1 =	vmor vm4, vm1;
	v12 =	vadd.f32 v13, v12;
	vm10 =	veq.s32 v8, v4;
	v41 =	vld [tilespmem:s22+$0x0]  }
0xb5: {  	vm11 =	veq.s32 v6, v5;
	v47 =	vld [tilespmem:s22+$0x10];
	vm4 =	vmor vm5, vm10;
	vm12 =	veq.s32 v7, v5  }
0xb6: {  	v38 =	vshll.u32 v9, $0xE;
	vm0 =	vmand vm4, vm0;
	vm2 =	vmor vm2, vm12  }
0xb7: {  	v44 =	vld [tilespmem:s23+$0x0];
	v4 =	vadd.s32 v10, v38;
	vm2 =	vmor vm2, vm3;
	v3 =	vnsel vm0, $0x0, v3  }
0xb8: {  	v49 =	vld [tilespmem:s23+$0x10];
	v39 =	vmul.u32 $0x9E3779B1, v4;
	v40 =	vshll.u32 v11, $0xE;
	vm13 =	vmor vm2, vm11  }
0xb9: {  	v3 =	vadd.f32 v3, v12;
	v6 =	vadd.s32 v14, v40;
	vm0 =	vmand vm13, vm1  }
0xba: {  	v7 =	vshll.u32 v41, $0xE;
	v14 =	vshll.u32 v47, $0xE;
	v5 =	vshrl.u32 v39, $0x13  }
0xbb: {  	s21 =	sadd.s32 $0x40, s21;
	v43 =	vmul.u32 $0x9E3779B1, v6;
	v2 =	vnsel vm0, $0x0, v2;
	v46 =	vadd.s32 $0x3, v5  }
0xbc: {  	v42 =	vld [tilespmem:s21+$0x10];
	v7 =	vadd.s32 v44, v7;
	v45 =	vadd.s32 $0x1, v5;
	v48 =	vand.u32 $0x1FFF, v46  }
0xbd: {  	v16 =	vld [tilespmem:s21+$0x0];
	v13 =	vadd.s32 v49, v14;
	v15 =	vadd.s32 $0x2, v5;
	v11 =	vand.u32 $0x1FFF, v45  }
0xbe: {  	v17 =	vld [tilespmem:s21+$0xFFFFFFF0];
	v2 =	vadd.f32 v2, v3;
	v20 =	vmul.u32 $0x9E3779B1, v7;
	v3 =	vand.u32 $0x1FFF, v15  }
0xbf: {  	v51 =	vld [tilespmem:s21+$0xFFFFFFE0];
	v53 =	vmul.u32 $0x9E3779B1, v13;
	v9 =	vshrl.u32 v43, $0x13  }
0xc0: {  	v52 =	vshrl.u32 v20, $0x13;
	v5 =	vld.idx.msk [tilespmem:v5+s17+$0x0], $0xffff  }
0xc1: {  	v19 =	vadd.s32 $0x2, v9;
	v20 =	vshrl.u32 v53, $0x13;
	v12 =	vld.idx.msk [tilespmem:v48+s17+$0x0], $0xffff  }
0xc2: {  	v50 =	vadd.s32 $0x3, v9;
	v19 =	vand.u32 $0x1FFF, v19;
	v11 =	vld.idx.msk [tilespmem:v11+s17+$0x0], $0xffff  }
0xc3: {  	vm0 =	vlt.f32 v16, $-Inf;
	v18 =	vadd.s32 $0x1, v9;
	v15 =	vand.u32 $0x1FFF, v50;
	v3 =	vld.idx.msk [tilespmem:v3+s17+$0x0], $0xffff  }
0xc4: {  	vm15 =	vlt.f32 v51, $-Inf;
	v18 =	vand.u32 $0x1FFF, v18;
	v21 =	vadd.s32 $0x1, v52;
	v9 =	vld.idx.msk [tilespmem:v9+s17+$0x0], $0xffff  }
0xc5: {  	vm8 =	vgt.f32 v51, $-Inf;
	v24 =	vadd.s32 $0x2, v20;
	v21 =	vand.u32 $0x1FFF, v21;
	v56 =	vld.idx.msk [tilespmem:v52+s17+$0x0], $0xffff  }
0xc6: {  	vm11 =	vlt.f32 v17, $-Inf;
	v23 =	vadd.s32 $0x3, v52;
	v24 =	vand.u32 $0x1FFF, v24;
	v59 =	vld.idx.msk [tilespmem:v20+s17+$0x0], $0xffff  }
0xc7: {  	vm13 =	vgt.f32 v17, $-Inf;
	v22 =	vadd.s32 $0x2, v52;
	v23 =	vand.u32 $0x1FFF, v23;
	v54 =	vld.idx.msk [tilespmem:v19+s17+$0x0], $0xffff  }
0xc8: {  	vm2 =	vmor vm8, vm15;
	vm4 =	vmor vm13, vm11;
	v22 =	vand.u32 $0x1FFF, v22;
	v15 =	vld.idx.msk [tilespmem:v15+s17+$0x0], $0xffff  }
0xc9: {  	vm15 =	vgt.f32 v16, $-Inf;
	v55 =	vadd.s32 $0x1, v20;
	v25 =	vadd.s32 $0x3, v20;
	v18 =	vld.idx.msk [tilespmem:v18+s17+$0x0], $0xffff  }
0xca: {  	vm0 =	vmor vm15, vm0;
	v57 =	vand.u32 $0x1FFF, v25;
	v19 =	vand.u32 $0x1FFF, v55;
	v58 =	vld.idx.msk [tilespmem:v21+s17+$0x0], $0xffff  }
0xcb: {  	vm14 =	veq.s32 v5, v4;
	v60 =	vld.idx.msk [tilespmem:v24+s17+$0x0], $0xffff;
	vm9 =	veq.s32 v11, v4;
	vm10 =	veq.s32 v3, v4  }
0xcc: {  	v61 =	vld.idx.msk [tilespmem:v23+s17+$0x0], $0xffff;
	vm12 =	veq.s32 v9, v6;
	vm7 =	veq.s32 v12, v4;
	vm1 =	vmor vm14, vm9  }
0xcd: {  	v3 =	vld.idx.msk [tilespmem:v22+s17+$0x0], $0xffff;
	vm11 =	veq.s32 v56, v7;
	vm15 =	veq.s32 v59, v13;
	vm1 =	vmor vm1, vm10  }
0xce: {  	vm14 =	veq.s32 v54, v6;
	vm8 =	veq.s32 v15, v6;
	vm9 =	veq.s32 v18, v6  }
0xcf: {  	v62 =	vld.idx.msk [tilespmem:v19+s17+$0x0], $0xffff;
	vm1 =	vmor vm1, vm7;
	vm7 =	vlt.f32 v42, $-Inf;
	vm10 =	vmor vm12, vm9  }
0xd0: {  	v63 =	vld.idx.msk [tilespmem:v57+s17+$0x0], $0xffff;
	vm13 =	veq.s32 v58, v7;
	vm9 =	veq.s32 v60, v13;
	vm1 =	vmand vm1, vm2  }
0xd1: {  	vm12 =	vmor vm10, vm14;
	vm2 =	vgt.f32 v42, $-Inf;
	vm10 =	veq.s32 v61, v7  }
0xd2: {  	v10 =	vnsel vm1, $0x0, v51;
	vm1 =	vmor vm12, vm8;
	vm14 =	veq.s32 v3, v7  }
0xd3: {  	vm8 =	vmor vm11, vm13;
	v2 =	vadd.f32 v10, v2;
	vm1 =	vmand vm1, vm4  }
0xd4: {  	v3 =	vnsel vm1, $0x0, v17;
	vm1 =	vmor vm8, vm14;
	vm11 =	veq.s32 v62, v13  }
0xd5: {  	vm13 =	veq.s32 v63, v13;
	vm1 =	vmor vm1, vm10;
	vm12 =	vmor vm15, vm11  }
.Ltmp10:
0xd6: {  	v2 =	vadd.f32 v3, v2;
	vm0 =	vmand vm1, vm0;
	vm14 =	vmor vm12, vm9;
	(pc) =	sbr.rel .LBB2_19-.Ltmp10, $4  }
0xd7: {  	vm2 =	vmor vm2, vm7;
	v3 =	vnsel vm0, $0x0, v16;
	vm15 =	vmor vm14, vm13  }
0xd8: {  	vm0 =	vmand vm15, vm2;
	v2 =	vadd.f32 v3, v2  }
0xd9: {  	v3 =	vnsel vm0, $0x0, v42  }
0xda: {  	v2 =	vadd.f32 v3, v2  }
.LBB2_12:
0xdb: {  	s23 =	smov.u32 @p0 s21  }
0xdc: {  	s22 =	simm.s32 $0x0;
	v2 =	vimm.f32 $0.0e+00;
	s21 =	sadd.s32 $0xFFFFFFFF, s23  }
.LBB2_13:
0xdd: {  	s23 =	sshll.u32 s22, $0x4  }
0xde: {  	v3 =	vld [tilespmem:s23+$0x0]  }
0xdf: {  	v4 =	vld [tilespmem:s23+$0x1000];
	_ =	sdelay $0x3  }
0xe0: {  	v3 =	vshll.u32 v3, $0xE  }
0xe1: {  	v3 =	vadd.s32 v4, v3  }
0xe2: {  	v4 =	vmul.u32 $0x9E3779B1, v3;
	_ =	sdelay $0x1  }
0xe3: {  	v4 =	vshrl.u32 v4, $0x13;
	_ =	sdelay $0x4  }
0xe4: {  	p1 =	sne.s32 s21, $0x1;
	v5 =	vld.idx.msk [tilespmem:v4+s17+$0x0], $0xffff  }
.Ltmp11:
0xe5: {  	_ = 	snop;
	(pc) =	sbr.rel @!p1 .LBB2_14-.Ltmp11, $3  }
0xe6: {  	_ =	sdelay $0x1  }
0xe7: {  	v4 =	vadd.s32 $0x1, v4  }
0xe8: {  	s24 =	sadd.s32 $0xFFFFFFFF, s21;
	p0 =	por $0x0, $0x0;
	v4 =	vand.u32 $0x1FFF, v4;
	vm0 =	veq.s32 v5, v3  }
0xe9: {  	p1 =	sne.s32 s24, $0x1  }
.Ltmp12:
0xea: {  	_ = 	snop;
	(pc) =	sbr.rel @!p1 .LBB2_16-.Ltmp12, $3  }
0xeb: {  	_ =	sdelay $0x1  }
0xec: {  	v6 =	vadd.s32 $0x1, v4  }
0xed: {  	v5 =	vld.idx.msk [tilespmem:v4+s17+$0x0], $0xffff;
	s24 =	sadd.s32 $0xFFFFFFFF, s24;
	p0 =	por $0x1, $0x1;
	vm1 =	vmmov vm0;
	v4 =	vand.u32 $0x1FFF, v6  }
.LBB2_17:
0xee: {  	p1 =	sne.s32 s24, $0x1  }
.Ltmp13:
0xef: {  	_ = 	snop;
	(pc) =	sbr.rel @p1 .LBB2_17-.Ltmp13, $3  }
0xf0: {  	_ =	sdelay $0x1  }
0xf1: {  	v6 =	vadd.s32 $0x1, v4;
	s24 =	sadd.s32 $0xFFFFFFFF, s24;
	vm2 =	veq.s32 v5, v3;
	v5 =	vld.idx.msk [tilespmem:v4+s17+$0x0], $0xffff  }
0xf2: {  	v4 =	vand.u32 $0x1FFF, v6;
	vm1 =	vmor vm1, vm2  }
.LBB2_18:
0xf3: {  	_ =	sdelay $0x3  }
0xf4: {  	v4 =	vld.idx.msk [tilespmem:v4+s17+$0x0], $0xffff  }
0xf5: {  	v6 =	vld [tilespmem:s23+$0x2000];
	_ =	sdelay $0x1  }
0xf6: {  	vm2 =	veq.s32 @p0 v5, v3  }
0xf7: {  	s22 =	sadd.s32 $0x1, s22;
	vm1 =	vmor @p0 vm1, vm2  }
0xf8: {  	vm0 =	vmmov @p0 vm1;
	p0 =	sne.s32 s22, $0x100  }
.Ltmp14:
0xf9: {  	vm13 =	veq.s32 v4, v3;
	vm14 =	vlt.f32 v6, $-Inf;
	vm3 =	vgt.f32 v6, $-Inf;
	(pc) =	sbr.rel @p0 .LBB2_13-.Ltmp14, $4  }
.Ltmp15:
0xfa: {  	vm0 =	vmor vm0, vm13;
	vm15 =	vmor vm3, vm14;
	(pc) =	sbr.rel @!p0 .LBB2_19-.Ltmp15, $4  }
0xfb: {  	vm0 =	vmand vm0, vm15  }
0xfc: {  	v3 =	vnsel vm0, $0x0, v6  }
0xfd: {  	v2 =	vadd.f32 v3, v2  }
0xfe: {  	_ = 	snop  }
.LBB2_14:
.Ltmp16:
0xff: {  	(pc) =	sbr.rel .LBB2_18-.Ltmp16, $2  }
0x100: {  	_ =	sdelay $0x2  }
0x101: {  	vm1 =	vmmov vm0  }
.LBB2_16:
.Ltmp17:
0x102: {  	(pc) =	sbr.rel .LBB2_18-.Ltmp17, $2  }
0x103: {  	_ =	sdelay $0x2  }
0x104: {  	vm1 =	vmmov vm0  }
.LBB2_20:
0x105: {  	_ =	sfence.sel $0x180000  }
0x106: {  	[bflag:$0x0] =	sbarrier.arrive $0xFFFF  }
0x107: {  	p0 =	sne.s32 s0, $0x0;
	_ =	strace $0x90000047  }
0x108: {  	s0 =	sadd.s32 @!p0 $0x100000, s1;
	[bflag:$0x2] =	sbarrier.arrive $0xFFFF  }
0x109: {  	[sflag:s0] =	ssyncadd.tile.s32 @!p0 $0x1;
	_ =	shalt  }
.Lfunc_end2:
_tile_overlayer_lowered:
.L_overlay_start_2:
0x10a: {  	(tag) =	ssettag $0x2  }
0x10b: {  	s0 =	rddreg [dreg:$0x0];
	s2 =	stileid.u32  }
0x10c: {  	s1 =	rddreg [dreg:$0x1];
	p0 =	sne.s32 s2, $0x0  }
0x10d: {  	s3 =	rddreg [dreg:$0x2];
	[bflag:$0x3] =	sbarrier.arrive $0xFFFF;
	s2 =	simm.s32 @!p0 $0x1C02  }
0x10e: {  	[timem:s3], [sflag:s2] =	dma.local @!p0 [hbm:s0], s1  }
0x10f: {  	s0 =	simm.s32 @!p0 $0x2  }
0x110: {  	_ =	swait.ge @!p0 [sflag:s0], s1  }
0x111: {  	s1 =	ssub.s32 @!p0 $0x0, s1;
	[sflag:s0] =	ssyncset.done @!p0 $0x0  }
0x112: {  	[sflag:s0] =	ssyncadd.s32 @!p0 s1  }
0x113: {  	[bflag:$0x3] =	sbarrier.arrive $0xFFFF  }
0x114: {  	_ =	shalt  }

</sc_bundles>
